<compile_context>
chip_gen: v7x
topology: tpu7x:2x2x1
jax: 0.10.2.dev20260603
libtpu: 0.0.44.dev20260713+nightly
codegen_flags: <defaults>
</compile_context>

<pallas_src>
import functools

import jax
import jax.numpy as jnp
from jax import lax
from jax.experimental import pallas as pl
from jax.experimental.pallas import tpu as pltpu
from jax.experimental.pallas import tpu_sc as plsc

N = 100000
E = 3200000
D = 16
DO = 128

NC, NS = 2, 16
NW = NC * NS

IR = 5
CE = IR * 128
AR = CE * D // 128
NROW = E // 128
N_CHUNKS = NROW // IR
CHUNK_Q, CHUNK_R = divmod(N_CHUNKS, NW)

N_PT = (N // NS) // 8 * 8
N_TAIL = N - NS * N_PT


@functools.partial(
    pl.kernel,
    out_type=jax.ShapeDtypeStruct((NC, N, D), jnp.float32),
    mesh=plsc.VectorSubcoreMesh(core_axis_name="c", subcore_axis_name="s"),
    compiler_params=pltpu.CompilerParams(use_tc_tiling_on_sc=False),
    scratch_types=[
        pltpu.VMEM_SHARED((N, D), jnp.float32),
        pltpu.VMEM((IR, 128), jnp.int32),
        pltpu.VMEM((IR, 128), jnp.int32),
        pltpu.VMEM((CE, D), jnp.float32),
        pltpu.VMEM((IR, 128), jnp.int32),
        pltpu.VMEM((IR, 128), jnp.int32),
        pltpu.VMEM((CE, D), jnp.float32),
        pltpu.SemaphoreType.DMA,
        pltpu.SemaphoreType.DMA,
        pltpu.SemaphoreType.DMA,
        pltpu.SemaphoreType.DMA,
    ],
)
def _sc_scatter(attr_hbm, ei_hbm, zeros_hbm, out_hbm, acc,
                idxp0, idxf0, rows0, idxp1, idxf1, rows1,
                ld0, ld1, s0, s1):
    cid = lax.axis_index("c")
    sid = lax.axis_index("s")
    wid = sid * NC + cid
    start = wid * CHUNK_Q + lax.min(wid, CHUNK_R)
    count = CHUNK_Q + jnp.where(wid < CHUNK_R, 1, 0)

    def load(g, idxp, idxf, rows, sem):
        pltpu.async_copy(attr_hbm.at[pl.ds(g * CE, CE)], rows, sem)
        pltpu.async_copy(ei_hbm.at[1, pl.ds(g * IR, IR)], idxf, sem)
        pltpu.async_copy(ei_hbm.at[0, pl.ds(g * IR, IR)], idxp, sem)

    def wait_load(idxp, idxf, rows, sem):
        pltpu.make_async_copy(attr_hbm.at[pl.ds(0, CE)], rows, sem).wait()
        pltpu.make_async_copy(ei_hbm.at[1, pl.ds(0, IR)], idxf, sem).wait()
        pltpu.make_async_copy(ei_hbm.at[0, pl.ds(0, IR)], idxp, sem).wait()

    def fire_scatters(idxp, idxf, rows, sem):
        for j in range(IR):
            src = rows.at[pl.ds(j * 128, 128)]
            pltpu.async_copy(src, acc.at[idxf.at[j]], sem, add=True)
            pltpu.async_copy(src, acc.at[idxp.at[j]], sem, add=True)

    def drain_scatters(rows, sem):
        pltpu.make_async_copy(zeros_hbm.at[pl.ds(0, CE)], rows, sem).wait()
        pltpu.make_async_copy(zeros_hbm.at[pl.ds(0, CE)], rows, sem).wait()

    off = sid * N_PT
    pltpu.sync_copy(zeros_hbm.at[pl.ds(off, N_PT)], acc.at[pl.ds(off, N_PT)])

    @pl.when(sid == 0)
    def _init_tail():
        pltpu.sync_copy(zeros_hbm.at[pl.ds(NS * N_PT, N_TAIL)],
                        acc.at[pl.ds(NS * N_PT, N_TAIL)])

    plsc.subcore_barrier()

    load(start, idxp0, idxf0, rows0, ld0)

    def body(t, _):
        g0 = start + 2 * t
        wait_load(idxp0, idxf0, rows0, ld0)
        load(g0 + 1, idxp1, idxf1, rows1, ld1)
        fire_scatters(idxp0, idxf0, rows0, s0)
        wait_load(idxp1, idxf1, rows1, ld1)
        fire_scatters(idxp1, idxf1, rows1, s1)
        drain_scatters(rows0, s0)
        load(lax.min(g0 + 2, start + count - 1), idxp0, idxf0, rows0, ld0)
        drain_scatters(rows1, s1)
        return ()

    lax.fori_loop(0, count // 2, body, (), unroll=False)

    wait_load(idxp0, idxf0, rows0, ld0)

    @pl.when(count % 2 == 1)
    def _odd_tail():
        fire_scatters(idxp0, idxf0, rows0, s0)
        drain_scatters(rows0, s0)

    plsc.subcore_barrier()
    pltpu.sync_copy(acc.at[pl.ds(off, N_PT)], out_hbm.at[cid, pl.ds(off, N_PT)])

    @pl.when(sid == 0)
    def _out_tail():
        pltpu.sync_copy(acc.at[pl.ds(NS * N_PT, N_TAIL)],
                        out_hbm.at[cid, pl.ds(NS * N_PT, N_TAIL)])


def _mlp_body(a_ref, w_ref, b_ref, o_ref):
    a = a_ref[0] + a_ref[1]
    o_ref[...] = (
        jnp.dot(a, w_ref[...], preferred_element_type=jnp.float32) + b_ref[...]
    )


BN = 2000


def _tc_mlp(partial, W, b2):
    return pl.pallas_call(
        _mlp_body,
        grid=(N // BN,),
        in_specs=[
            pl.BlockSpec((NC, BN, D), lambda i: (0, i, 0)),
            pl.BlockSpec((D, DO), lambda i: (0, 0)),
            pl.BlockSpec((1, DO), lambda i: (0, 0)),
        ],
        out_specs=pl.BlockSpec((BN, DO), lambda i: (i, 0)),
        out_shape=jax.ShapeDtypeStruct((N, DO), jnp.float32),
    )(partial, W, b2)


def kernel(edge_index, edge_attr, num_nodes, W, b):
    del num_nodes
    ei = edge_index.astype(jnp.int32).reshape(2, NROW, 128)
    zeros = jnp.zeros((N, D), jnp.float32)
    partial = _sc_scatter(edge_attr, ei, zeros)
    return _tc_mlp(partial, W, b.reshape(1, DO))

# --- scband reference (transcript-rebuilt; emitter-appended) ---
"""Pipeline reference for scband-initial-uniform-agg-node-model-49976239456343 (READ-ONLY COPY).

The authoritative reference and input builder live on the scoring server;
editing this copy changes nothing except your own understanding.
"""

import jax, jax.numpy as jnp
import numpy as np

N_NODES = 100000
N_EDGES = 3200000
D_EDGE = 16
D_OUT = 128


def setup_inputs(seed: int = 0) -> dict:
    key = jax.random.key(seed)
    k1, k2, k3 = jax.random.split(key, 3)
    edge_index = jax.random.randint(k1, (2, N_EDGES), 0, N_NODES, dtype=jnp.int64 if jax.config.jax_enable_x64 else jnp.int32)
    edge_attr = jax.random.normal(k2, (N_EDGES, D_EDGE), dtype=jnp.float32)
    # node_mlp = Linear(16, 128)
    W = jax.random.normal(k3, (D_EDGE, D_OUT), dtype=jnp.float32) * (1.0 / np.sqrt(D_EDGE))
    b = jnp.zeros((D_OUT,), dtype=jnp.float32)
    return {"edge_index": edge_index, "edge_attr": edge_attr, "num_nodes": N_NODES, "W": W, "b": b}


def reference(edge_index, edge_attr, num_nodes, W, b):
    past_nodes = edge_index[0]
    future_nodes = edge_index[1]
    # scatter(src=vstack((edge_attr, edge_attr)), index=cat((future, past)), reduce='sum', dim=0, dim_size=num_nodes)
    src = jnp.vstack((edge_attr, edge_attr))
    idx = jnp.concatenate((future_nodes, past_nodes))
    idx = jnp.minimum(idx, num_nodes - 1)
    flow_total = jax.ops.segment_sum(src, idx, num_segments=N_NODES)
    # node_mlp: Linear(d_edge, d_out)
    return flow_total @ W + b

if __name__ == "__main__":
    import jax
    _d = setup_inputs()
    print(jax.jit(kernel)(*tuple(_d.values())))

</pallas_src>

<mosaic_0001>
#map = affine_map<(d0, d1) -> (0, 0)>
#map1 = affine_map<(d0, d1) -> (0, 0, 0)>
module attributes {stable_mosaic.version = 14 : i64} {
  func.func @_sc_scatter(%arg0: i32, %arg1: i32, %arg2: memref<3200000x16xf32, #tpu.memory_space<hbm>>, %arg3: memref<2x25000x128xi32, #tpu.memory_space<hbm>>, %arg4: memref<100000x16xf32, #tpu.memory_space<hbm>>, %arg5: memref<2x100000x16xf32, #tpu.memory_space<hbm>>, %arg6: memref<100000x16xf32, #tpu.memory_space<vmem_shared>>, %arg7: memref<5x128xi32, #tpu.memory_space<vmem>>, %arg8: memref<5x128xi32, #tpu.memory_space<vmem>>, %arg9: memref<640x16xf32, #tpu.memory_space<vmem>>, %arg10: memref<5x128xi32, #tpu.memory_space<vmem>>, %arg11: memref<5x128xi32, #tpu.memory_space<vmem>>, %arg12: memref<640x16xf32, #tpu.memory_space<vmem>>, %arg13: memref<!tpu.dma_semaphore, #tpu.memory_space<semaphore_mem>>, %arg14: memref<!tpu.dma_semaphore, #tpu.memory_space<semaphore_mem>>, %arg15: memref<!tpu.dma_semaphore, #tpu.memory_space<semaphore_mem>>, %arg16: memref<!tpu.dma_semaphore, #tpu.memory_space<semaphore_mem>>) attributes {dimension_semantics = [#tpu.dimension_semantics<core_parallel>, #tpu.dimension_semantics<subcore_parallel>], iteration_bounds = array<i64: 2, 16>, scalar_prefetch = 0 : i64, scratch_operands = 11 : i64, tpu.core_type = #tpu.core_type<sc_vector_subcore>, window_params = [{transform_indices = #map}, {transform_indices = #map1}, {transform_indices = #map}, {transform_indices = #map1}]} {
    %mul3A = arith.constant 2 : i32
    %mul3A_0 = arith.muli %arg1, %mul3A : i32
    %add3A = arith.addi %mul3A_0, %arg0 : i32
    %mul3A_1 = arith.constant 156 : i32
    %mul3A_2 = arith.muli %add3A, %mul3A_1 : i32
    %min3A = arith.constant 8 : i32
    %min3A_3 = arith.minsi %add3A, %min3A : i32
    %add3A_4 = arith.addi %mul3A_2, %min3A_3 : i32
    %lt3A = arith.constant 8 : i32
    %lt3A_5 = arith.cmpi slt, %add3A, %lt3A : i32
    %jit3A = arith.constant 1 : i32
    %jit3A_6 = arith.constant 0 : i32
    %select_n3A = arith.select %lt3A_5, %jit3A, %jit3A_6 : i32
    %add3A_7 = arith.constant 156 : i32
    %add3A_8 = arith.addi %add3A_7, %select_n3A : i32
    %mul3A_9 = arith.constant 6248 : i32
    %mul3A_10 = arith.muli %arg1, %mul3A_9 : i32
    "tpu.region"() ({
      %run_scoped3A = tpu.sem_alloc : memref<!tpu.dma_semaphore, #tpu.memory_space<semaphore_mem>>
      %dma_start3A_112 = arith.constant 0 : i32
      %dma_start3A_113 = tpu.memref_slice %arg6[%mul3A_10, %dma_start3A_112] : memref<100000x16xf32, #tpu.memory_space<vmem_shared>> -> memref<6248x16xf32, #tpu.memory_space<vmem_shared>>
      %dma_start3A_114 = arith.constant 0 : i32
      %dma_start3A_115 = tpu.memref_slice %arg4[%mul3A_10, %dma_start3A_114] : memref<100000x16xf32, #tpu.memory_space<hbm>> -> memref<6248x16xf32, #tpu.memory_space<hbm>>
      tpu.enqueue_dma source(%dma_start3A_115 : memref<6248x16xf32, #tpu.memory_space<hbm>>) target(%dma_start3A_113 : memref<6248x16xf32, #tpu.memory_space<vmem_shared>>) target_semaphore(%run_scoped3A : memref<!tpu.dma_semaphore, #tpu.memory_space<semaphore_mem>>)
      %dma_wait3A_116 = arith.constant 0 : i32
      %dma_wait3A_117 = tpu.memref_slice %arg6[%mul3A_10, %dma_wait3A_116] : memref<100000x16xf32, #tpu.memory_space<vmem_shared>> -> memref<6248x16xf32, #tpu.memory_space<vmem_shared>>
      %dma_wait3A_118 = arith.constant 0 : i32
      %dma_wait3A_119 = tpu.memref_slice %arg4[%mul3A_10, %dma_wait3A_118] : memref<100000x16xf32, #tpu.memory_space<hbm>> -> memref<6248x16xf32, #tpu.memory_space<hbm>>
      tpu.wait_dma2 semaphore(%run_scoped3A : memref<!tpu.dma_semaphore, #tpu.memory_space<semaphore_mem>>) src(%dma_wait3A_119 : memref<6248x16xf32, #tpu.memory_space<hbm>>) dst(%dma_wait3A_117 : memref<6248x16xf32, #tpu.memory_space<vmem_shared>>)
      tpu.yield
    }) : () -> ()
    %eq3A = arith.constant 0 : i32
    %eq3A_11 = arith.cmpi eq, %arg1, %eq3A : i32
    %convert_element_type3A = arith.extui %eq3A_11 : i1 to i32
    %cond3A = arith.constant 0 : i32
    %cond3A_12 = arith.cmpi ne, %convert_element_type3A, %cond3A : i32
    scf.if %cond3A_12 {
      "tpu.region"() ({
        %run_scoped3A = tpu.sem_alloc : memref<!tpu.dma_semaphore, #tpu.memory_space<semaphore_mem>>
        %dma_start3A_112 = arith.constant 99968 : i32
        %dma_start3A_113 = arith.constant 0 : i32
        %dma_start3A_114 = tpu.memref_slice %arg6[%dma_start3A_112, %dma_start3A_113] : memref<100000x16xf32, #tpu.memory_space<vmem_shared>> -> memref<32x16xf32, #tpu.memory_space<vmem_shared>>
        %dma_start3A_115 = arith.constant 99968 : i32
        %dma_start3A_116 = arith.constant 0 : i32
        %dma_start3A_117 = tpu.memref_slice %arg4[%dma_start3A_115, %dma_start3A_116] : memref<100000x16xf32, #tpu.memory_space<hbm>> -> memref<32x16xf32, #tpu.memory_space<hbm>>
        tpu.enqueue_dma source(%dma_start3A_117 : memref<32x16xf32, #tpu.memory_space<hbm>>) target(%dma_start3A_114 : memref<32x16xf32, #tpu.memory_space<vmem_shared>>) target_semaphore(%run_scoped3A : memref<!tpu.dma_semaphore, #tpu.memory_space<semaphore_mem>>)
        %dma_wait3A_118 = arith.constant 99968 : i32
        %dma_wait3A_119 = arith.constant 0 : i32
        %dma_wait3A_120 = tpu.memref_slice %arg6[%dma_wait3A_118, %dma_wait3A_119] : memref<100000x16xf32, #tpu.memory_space<vmem_shared>> -> memref<32x16xf32, #tpu.memory_space<vmem_shared>>
        %dma_wait3A_121 = arith.constant 99968 : i32
        %dma_wait3A_122 = arith.constant 0 : i32
        %dma_wait3A_123 = tpu.memref_slice %arg4[%dma_wait3A_121, %dma_wait3A_122] : memref<100000x16xf32, #tpu.memory_space<hbm>> -> memref<32x16xf32, #tpu.memory_space<hbm>>
        tpu.wait_dma2 semaphore(%run_scoped3A : memref<!tpu.dma_semaphore, #tpu.memory_space<semaphore_mem>>) src(%dma_wait3A_123 : memref<32x16xf32, #tpu.memory_space<hbm>>) dst(%dma_wait3A_120 : memref<32x16xf32, #tpu.memory_space<vmem_shared>>)
        tpu.yield
      }) : () -> ()
    } else {
    }
    %barrier3A = arith.constant 0 : index
    tpu.barrier barrier_id(%barrier3A)
    %mul3A_13 = arith.constant 640 : i32
    %mul3A_14 = arith.muli %add3A_4, %mul3A_13 : i32
    %dma_start3A = arith.constant 0 : i32
    %dma_start3A_15 = tpu.memref_slice %arg2[%mul3A_14, %dma_start3A] : memref<3200000x16xf32, #tpu.memory_space<hbm>> -> memref<640x16xf32, #tpu.memory_space<hbm>>
    %dma_start3A_16 = arith.constant 0 : i32
    %dma_start3A_17 = tpu.memref_slice %arg2[%mul3A_14, %dma_start3A_16] : memref<3200000x16xf32, #tpu.memory_space<hbm>> -> memref<640x16xf32, #tpu.memory_space<hbm>>
    tpu.enqueue_dma source(%dma_start3A_17 : memref<640x16xf32, #tpu.memory_space<hbm>>) target(%arg9 : memref<640x16xf32, #tpu.memory_space<vmem>>) target_semaphore(%arg13 : memref<!tpu.dma_semaphore, #tpu.memory_space<semaphore_mem>>)
    %mul3A_18 = arith.constant 5 : i32
    %mul3A_19 = arith.muli %add3A_4, %mul3A_18 : i32
    %dma_start3A_20 = arith.constant 1 : i32
    %dma_start3A_21 = arith.constant 0 : i32
    %dma_start3A_22 = tpu.memref_slice %arg3[%dma_start3A_20, %mul3A_19, %dma_start3A_21] : memref<2x25000x128xi32, #tpu.memory_space<hbm>> -> memref<1x5x128xi32, #tpu.memory_space<hbm>>
    %dma_start3A_23 = tpu.memref_squeeze %dma_start3A_22 : memref<1x5x128xi32, #tpu.memory_space<hbm>> -> memref<5x128xi32, #tpu.memory_space<hbm>>
    %dma_start3A_24 = arith.constant 0 : i32
    %dma_start3A_25 = tpu.memref_slice %arg3[%dma_start3A_20, %mul3A_19, %dma_start3A_24] : memref<2x25000x128xi32, #tpu.memory_space<hbm>> -> memref<1x5x128xi32, #tpu.memory_space<hbm>>
    %dma_start3A_26 = tpu.memref_squeeze %dma_start3A_25 : memref<1x5x128xi32, #tpu.memory_space<hbm>> -> memref<5x128xi32, #tpu.memory_space<hbm>>
    tpu.enqueue_dma source(%dma_start3A_26 : memref<5x128xi32, #tpu.memory_space<hbm>>) target(%arg8 : memref<5x128xi32, #tpu.memory_space<vmem>>) target_semaphore(%arg13 : memref<!tpu.dma_semaphore, #tpu.memory_space<semaphore_mem>>)
    %mul3A_27 = arith.constant 5 : i32
    %mul3A_28 = arith.muli %add3A_4, %mul3A_27 : i32
    %dma_start3A_29 = arith.constant 0 : i32
    %dma_start3A_30 = arith.constant 0 : i32
    %dma_start3A_31 = tpu.memref_slice %arg3[%dma_start3A_29, %mul3A_28, %dma_start3A_30] : memref<2x25000x128xi32, #tpu.memory_space<hbm>> -> memref<1x5x128xi32, #tpu.memory_space<hbm>>
    %dma_start3A_32 = tpu.memref_squeeze %dma_start3A_31 : memref<1x5x128xi32, #tpu.memory_space<hbm>> -> memref<5x128xi32, #tpu.memory_space<hbm>>
    %dma_start3A_33 = arith.constant 0 : i32
    %dma_start3A_34 = tpu.memref_slice %arg3[%dma_start3A_29, %mul3A_28, %dma_start3A_33] : memref<2x25000x128xi32, #tpu.memory_space<hbm>> -> memref<1x5x128xi32, #tpu.memory_space<hbm>>
    %dma_start3A_35 = tpu.memref_squeeze %dma_start3A_34 : memref<1x5x128xi32, #tpu.memory_space<hbm>> -> memref<5x128xi32, #tpu.memory_space<hbm>>
    tpu.enqueue_dma source(%dma_start3A_35 : memref<5x128xi32, #tpu.memory_space<hbm>>) target(%arg7 : memref<5x128xi32, #tpu.memory_space<vmem>>) target_semaphore(%arg13 : memref<!tpu.dma_semaphore, #tpu.memory_space<semaphore_mem>>)
    %jit3A_36 = arith.constant 2 : i32
    %div3A = arith.divsi %add3A_8, %jit3A_36 : i32
    %sign3A = arith.constant 0 : i32
    %sign3A_37 = arith.cmpi sgt, %add3A_8, %sign3A : i32
    %sign3A_38 = arith.extui %sign3A_37 : i1 to i32
    %sign3A_39 = arith.constant 0 : i32
    %sign3A_40 = arith.cmpi slt, %add3A_8, %sign3A_39 : i32
    %sign3A_41 = arith.extui %sign3A_40 : i1 to i32
    %sign3A_42 = arith.subi %sign3A_38, %sign3A_41 : i32
    %sign3A_43 = arith.constant 0 : i32
    %sign3A_44 = arith.cmpi sgt, %jit3A_36, %sign3A_43 : i32
    %sign3A_45 = arith.extui %sign3A_44 : i1 to i32
    %sign3A_46 = arith.constant 0 : i32
    %sign3A_47 = arith.cmpi slt, %jit3A_36, %sign3A_46 : i32
    %sign3A_48 = arith.extui %sign3A_47 : i1 to i32
    %sign3A_49 = arith.subi %sign3A_45, %sign3A_48 : i32
    %ne3A = arith.cmpi ne, %sign3A_42, %sign3A_49 : i32
    %rem3A = arith.remsi %add3A_8, %jit3A_36 : i32
    %ne3A_50 = arith.constant 0 : i32
    %ne3A_51 = arith.cmpi ne, %rem3A, %ne3A_50 : i32
    %and3A = arith.andi %ne3A, %ne3A_51 : i1
    %sub3A = arith.constant 1 : i32
    %sub3A_52 = arith.subi %div3A, %sub3A : i32
    %select_n3A_53 = arith.select %and3A, %sub3A_52, %div3A : i32
    %while3A = arith.constant 0 : i32
    %while3A_54 = arith.subi %select_n3A_53, %while3A : i32
    %while3A_55 = arith.addi %while3A, %while3A_54 : i32
    %while3A_56 = arith.constant 1 : i32
    %while3A_57 = arith.divsi %while3A_54, %while3A_56 : i32
    %while3A_58 = arith.muli %while3A_57, %while3A_56 : i32
    %while3A_59 = arith.addi %while3A, %while3A_58 : i32
    %while3A_60 = arith.constant 1 : i32
    scf.for %while3A_112 = %while3A to %while3A_59 step %while3A_60  : i32 {
      %mul3A_113 = arith.constant 2 : i32
      %mul3A_114 = arith.muli %mul3A_113, %while3A_112 : i32
      %add3A_115 = arith.addi %add3A_4, %mul3A_114 : i32
      %dma_wait3A_116 = arith.constant 0 : i32
      %dma_wait3A_117 = arith.constant 0 : i32
      %dma_wait3A_118 = tpu.memref_slice %arg2[%dma_wait3A_116, %dma_wait3A_117] : memref<3200000x16xf32, #tpu.memory_space<hbm>> -> memref<640x16xf32, #tpu.memory_space<hbm>>
      %dma_wait3A_119 = arith.constant 0 : i32
      %dma_wait3A_120 = arith.constant 0 : i32
      %dma_wait3A_121 = tpu.memref_slice %arg2[%dma_wait3A_119, %dma_wait3A_120] : memref<3200000x16xf32, #tpu.memory_space<hbm>> -> memref<640x16xf32, #tpu.memory_space<hbm>>
      tpu.wait_dma2 semaphore(%arg13 : memref<!tpu.dma_semaphore, #tpu.memory_space<semaphore_mem>>) src(%dma_wait3A_121 : memref<640x16xf32, #tpu.memory_space<hbm>>) dst(%arg9 : memref<640x16xf32, #tpu.memory_space<vmem>>)
      %dma_wait3A_122 = arith.constant 1 : i32
      %dma_wait3A_123 = arith.constant 0 : i32
      %dma_wait3A_124 = arith.constant 0 : i32
      %dma_wait3A_125 = tpu.memref_slice %arg3[%dma_wait3A_122, %dma_wait3A_123, %dma_wait3A_124] : memref<2x25000x128xi32, #tpu.memory_space<hbm>> -> memref<1x5x128xi32, #tpu.memory_space<hbm>>
      %dma_wait3A_126 = tpu.memref_squeeze %dma_wait3A_125 : memref<1x5x128xi32, #tpu.memory_space<hbm>> -> memref<5x128xi32, #tpu.memory_space<hbm>>
      %dma_wait3A_127 = arith.constant 0 : i32
      %dma_wait3A_128 = arith.constant 0 : i32
      %dma_wait3A_129 = tpu.memref_slice %arg3[%dma_wait3A_122, %dma_wait3A_127, %dma_wait3A_128] : memref<2x25000x128xi32, #tpu.memory_space<hbm>> -> memref<1x5x128xi32, #tpu.memory_space<hbm>>
      %dma_wait3A_130 = tpu.memref_squeeze %dma_wait3A_129 : memref<1x5x128xi32, #tpu.memory_space<hbm>> -> memref<5x128xi32, #tpu.memory_space<hbm>>
      tpu.wait_dma2 semaphore(%arg13 : memref<!tpu.dma_semaphore, #tpu.memory_space<semaphore_mem>>) src(%dma_wait3A_130 : memref<5x128xi32, #tpu.memory_space<hbm>>) dst(%arg8 : memref<5x128xi32, #tpu.memory_space<vmem>>)
      %dma_wait3A_131 = arith.constant 0 : i32
      %dma_wait3A_132 = arith.constant 0 : i32
      %dma_wait3A_133 = arith.constant 0 : i32
      %dma_wait3A_134 = tpu.memref_slice %arg3[%dma_wait3A_131, %dma_wait3A_132, %dma_wait3A_133] : memref<2x25000x128xi32, #tpu.memory_space<hbm>> -> memref<1x5x128xi32, #tpu.memory_space<hbm>>
      %dma_wait3A_135 = tpu.memref_squeeze %dma_wait3A_134 : memref<1x5x128xi32, #tpu.memory_space<hbm>> -> memref<5x128xi32, #tpu.memory_space<hbm>>
      %dma_wait3A_136 = arith.constant 0 : i32
      %dma_wait3A_137 = arith.constant 0 : i32
      %dma_wait3A_138 = tpu.memref_slice %arg3[%dma_wait3A_131, %dma_wait3A_136, %dma_wait3A_137] : memref<2x25000x128xi32, #tpu.memory_space<hbm>> -> memref<1x5x128xi32, #tpu.memory_space<hbm>>
      %dma_wait3A_139 = tpu.memref_squeeze %dma_wait3A_138 : memref<1x5x128xi32, #tpu.memory_space<hbm>> -> memref<5x128xi32, #tpu.memory_space<hbm>>
      tpu.wait_dma2 semaphore(%arg13 : memref<!tpu.dma_semaphore, #tpu.memory_space<semaphore_mem>>) src(%dma_wait3A_139 : memref<5x128xi32, #tpu.memory_space<hbm>>) dst(%arg7 : memref<5x128xi32, #tpu.memory_space<vmem>>)
      %add3A_140 = arith.constant 1 : i32
      %add3A_141 = arith.addi %add3A_115, %add3A_140 : i32
      %mul3A_142 = arith.constant 640 : i32
      %mul3A_143 = arith.muli %add3A_141, %mul3A_142 : i32
      %dma_start3A_144 = arith.constant 0 : i32
      %dma_start3A_145 = tpu.memref_slice %arg2[%mul3A_143, %dma_start3A_144] : memref<3200000x16xf32, #tpu.memory_space<hbm>> -> memref<640x16xf32, #tpu.memory_space<hbm>>
      %dma_start3A_146 = arith.constant 0 : i32
      %dma_start3A_147 = tpu.memref_slice %arg2[%mul3A_143, %dma_start3A_146] : memref<3200000x16xf32, #tpu.memory_space<hbm>> -> memref<640x16xf32, #tpu.memory_space<hbm>>
      tpu.enqueue_dma source(%dma_start3A_147 : memref<640x16xf32, #tpu.memory_space<hbm>>) target(%arg12 : memref<640x16xf32, #tpu.memory_space<vmem>>) target_semaphore(%arg14 : memref<!tpu.dma_semaphore, #tpu.memory_space<semaphore_mem>>)
      %mul3A_148 = arith.constant 5 : i32
      %mul3A_149 = arith.muli %add3A_141, %mul3A_148 : i32
      %dma_start3A_150 = arith.constant 1 : i32
      %dma_start3A_151 = arith.constant 0 : i32
      %dma_start3A_152 = tpu.memref_slice %arg3[%dma_start3A_150, %mul3A_149, %dma_start3A_151] : memref<2x25000x128xi32, #tpu.memory_space<hbm>> -> memref<1x5x128xi32, #tpu.memory_space<hbm>>
      %dma_start3A_153 = tpu.memref_squeeze %dma_start3A_152 : memref<1x5x128xi32, #tpu.memory_space<hbm>> -> memref<5x128xi32, #tpu.memory_space<hbm>>
      %dma_start3A_154 = arith.constant 0 : i32
      %dma_start3A_155 = tpu.memref_slice %arg3[%dma_start3A_150, %mul3A_149, %dma_start3A_154] : memref<2x25000x128xi32, #tpu.memory_space<hbm>> -> memref<1x5x128xi32, #tpu.memory_space<hbm>>
      %dma_start3A_156 = tpu.memref_squeeze %dma_start3A_155 : memref<1x5x128xi32, #tpu.memory_space<hbm>> -> memref<5x128xi32, #tpu.memory_space<hbm>>
      tpu.enqueue_dma source(%dma_start3A_156 : memref<5x128xi32, #tpu.memory_space<hbm>>) target(%arg11 : memref<5x128xi32, #tpu.memory_space<vmem>>) target_semaphore(%arg14 : memref<!tpu.dma_semaphore, #tpu.memory_space<semaphore_mem>>)
      %mul3A_157 = arith.constant 5 : i32
      %mul3A_158 = arith.muli %add3A_141, %mul3A_157 : i32
      %dma_start3A_159 = arith.constant 0 : i32
      %dma_start3A_160 = arith.constant 0 : i32
      %dma_start3A_161 = tpu.memref_slice %arg3[%dma_start3A_159, %mul3A_158, %dma_start3A_160] : memref<2x25000x128xi32, #tpu.memory_space<hbm>> -> memref<1x5x128xi32, #tpu.memory_space<hbm>>
      %dma_start3A_162 = tpu.memref_squeeze %dma_start3A_161 : memref<1x5x128xi32, #tpu.memory_space<hbm>> -> memref<5x128xi32, #tpu.memory_space<hbm>>
      %dma_start3A_163 = arith.constant 0 : i32
      %dma_start3A_164 = tpu.memref_slice %arg3[%dma_start3A_159, %mul3A_158, %dma_start3A_163] : memref<2x25000x128xi32, #tpu.memory_space<hbm>> -> memref<1x5x128xi32, #tpu.memory_space<hbm>>
      %dma_start3A_165 = tpu.memref_squeeze %dma_start3A_164 : memref<1x5x128xi32, #tpu.memory_space<hbm>> -> memref<5x128xi32, #tpu.memory_space<hbm>>
      tpu.enqueue_dma source(%dma_start3A_165 : memref<5x128xi32, #tpu.memory_space<hbm>>) target(%arg10 : memref<5x128xi32, #tpu.memory_space<vmem>>) target_semaphore(%arg14 : memref<!tpu.dma_semaphore, #tpu.memory_space<semaphore_mem>>)
      %dma_start3A_166 = arith.constant 0 : i32
      %dma_start3A_167 = arith.constant 0 : i32
      %dma_start3A_168 = arith.constant 0 : i32
      %dma_start3A_169 = tpu.memref_slice %arg9[%dma_start3A_167, %dma_start3A_168] : memref<640x16xf32, #tpu.memory_space<vmem>> -> memref<128x16xf32, #tpu.memory_space<vmem>>
      %dma_start3A_170 = arith.constant 0 : i32
      %dma_start3A_171 = tpu.memref_slice %arg8[%dma_start3A_166, %dma_start3A_170] : memref<5x128xi32, #tpu.memory_space<vmem>> -> memref<1x128xi32, #tpu.memory_space<vmem>>
      %dma_start3A_172 = tpu.memref_squeeze %dma_start3A_171 : memref<1x128xi32, #tpu.memory_space<vmem>> -> memref<128xi32, #tpu.memory_space<vmem>>
      %dma_start3A_173 = arith.constant 0 : i32
      %dma_start3A_174 = arith.constant 0 : i32
      %dma_start3A_175 = tpu.memref_slice %arg6[%dma_start3A_173, %dma_start3A_174] : memref<100000x16xf32, #tpu.memory_space<vmem_shared>> -> memref<100000x16xf32, #tpu.memory_space<vmem_shared>>
      tpu.enqueue_indirect_dma source(%dma_start3A_169 : memref<128x16xf32, #tpu.memory_space<vmem>>) target(%dma_start3A_175 : memref<100000x16xf32, #tpu.memory_space<vmem_shared>>) offsets(%dma_start3A_172 : memref<128xi32, #tpu.memory_space<vmem>>) semaphore(%arg15 : memref<!tpu.dma_semaphore, #tpu.memory_space<semaphore_mem>>) {add = true}
      %dma_start3A_176 = arith.constant 0 : i32
      %dma_start3A_177 = arith.constant 0 : i32
      %dma_start3A_178 = arith.constant 0 : i32
      %dma_start3A_179 = tpu.memref_slice %arg9[%dma_start3A_177, %dma_start3A_178] : memref<640x16xf32, #tpu.memory_space<vmem>> -> memref<128x16xf32, #tpu.memory_space<vmem>>
      %dma_start3A_180 = arith.constant 0 : i32
      %dma_start3A_181 = tpu.memref_slice %arg7[%dma_start3A_176, %dma_start3A_180] : memref<5x128xi32, #tpu.memory_space<vmem>> -> memref<1x128xi32, #tpu.memory_space<vmem>>
      %dma_start3A_182 = tpu.memref_squeeze %dma_start3A_181 : memref<1x128xi32, #tpu.memory_space<vmem>> -> memref<128xi32, #tpu.memory_space<vmem>>
      %dma_start3A_183 = arith.constant 0 : i32
      %dma_start3A_184 = arith.constant 0 : i32
      %dma_start3A_185 = tpu.memref_slice %arg6[%dma_start3A_183, %dma_start3A_184] : memref<100000x16xf32, #tpu.memory_space<vmem_shared>> -> memref<100000x16xf32, #tpu.memory_space<vmem_shared>>
      tpu.enqueue_indirect_dma source(%dma_start3A_179 : memref<128x16xf32, #tpu.memory_space<vmem>>) target(%dma_start3A_185 : memref<100000x16xf32, #tpu.memory_space<vmem_shared>>) offsets(%dma_start3A_182 : memref<128xi32, #tpu.memory_space<vmem>>) semaphore(%arg15 : memref<!tpu.dma_semaphore, #tpu.memory_space<semaphore_mem>>) {add = true}
      %dma_start3A_186 = arith.constant 1 : i32
      %dma_start3A_187 = arith.constant 128 : i32
      %dma_start3A_188 = arith.constant 0 : i32
      %dma_start3A_189 = tpu.memref_slice %arg9[%dma_start3A_187, %dma_start3A_188] : memref<640x16xf32, #tpu.memory_space<vmem>> -> memref<128x16xf32, #tpu.memory_space<vmem>>
      %dma_start3A_190 = arith.constant 0 : i32
      %dma_start3A_191 = tpu.memref_slice %arg8[%dma_start3A_186, %dma_start3A_190] : memref<5x128xi32, #tpu.memory_space<vmem>> -> memref<1x128xi32, #tpu.memory_space<vmem>>
      %dma_start3A_192 = tpu.memref_squeeze %dma_start3A_191 : memref<1x128xi32, #tpu.memory_space<vmem>> -> memref<128xi32, #tpu.memory_space<vmem>>
      %dma_start3A_193 = arith.constant 0 : i32
      %dma_start3A_194 = arith.constant 0 : i32
      %dma_start3A_195 = tpu.memref_slice %arg6[%dma_start3A_193, %dma_start3A_194] : memref<100000x16xf32, #tpu.memory_space<vmem_shared>> -> memref<100000x16xf32, #tpu.memory_space<vmem_shared>>
      tpu.enqueue_indirect_dma source(%dma_start3A_189 : memref<128x16xf32, #tpu.memory_space<vmem>>) target(%dma_start3A_195 : memref<100000x16xf32, #tpu.memory_space<vmem_shared>>) offsets(%dma_start3A_192 : memref<128xi32, #tpu.memory_space<vmem>>) semaphore(%arg15 : memref<!tpu.dma_semaphore, #tpu.memory_space<semaphore_mem>>) {add = true}
      %dma_start3A_196 = arith.constant 1 : i32
      %dma_start3A_197 = arith.constant 128 : i32
      %dma_start3A_198 = arith.constant 0 : i32
      %dma_start3A_199 = tpu.memref_slice %arg9[%dma_start3A_197, %dma_start3A_198] : memref<640x16xf32, #tpu.memory_space<vmem>> -> memref<128x16xf32, #tpu.memory_space<vmem>>
      %dma_start3A_200 = arith.constant 0 : i32
      %dma_start3A_201 = tpu.memref_slice %arg7[%dma_start3A_196, %dma_start3A_200] : memref<5x128xi32, #tpu.memory_space<vmem>> -> memref<1x128xi32, #tpu.memory_space<vmem>>
      %dma_start3A_202 = tpu.memref_squeeze %dma_start3A_201 : memref<1x128xi32, #tpu.memory_space<vmem>> -> memref<128xi32, #tpu.memory_space<vmem>>
      %dma_start3A_203 = arith.constant 0 : i32
      %dma_start3A_204 = arith.constant 0 : i32
      %dma_start3A_205 = tpu.memref_slice %arg6[%dma_start3A_203, %dma_start3A_204] : memref<100000x16xf32, #tpu.memory_space<vmem_shared>> -> memref<100000x16xf32, #tpu.memory_space<vmem_shared>>
      tpu.enqueue_indirect_dma source(%dma_start3A_199 : memref<128x16xf32, #tpu.memory_space<vmem>>) target(%dma_start3A_205 : memref<100000x16xf32, #tpu.memory_space<vmem_shared>>) offsets(%dma_start3A_202 : memref<128xi32, #tpu.memory_space<vmem>>) semaphore(%arg15 : memref<!tpu.dma_semaphore, #tpu.memory_space<semaphore_mem>>) {add = true}
      %dma_start3A_206 = arith.constant 2 : i32
      %dma_start3A_207 = arith.constant 256 : i32
      %dma_start3A_208 = arith.constant 0 : i32
      %dma_start3A_209 = tpu.memref_slice %arg9[%dma_start3A_207, %dma_start3A_208] : memref<640x16xf32, #tpu.memory_space<vmem>> -> memref<128x16xf32, #tpu.memory_space<vmem>>
      %dma_start3A_210 = arith.constant 0 : i32
      %dma_start3A_211 = tpu.memref_slice %arg8[%dma_start3A_206, %dma_start3A_210] : memref<5x128xi32, #tpu.memory_space<vmem>> -> memref<1x128xi32, #tpu.memory_space<vmem>>
      %dma_start3A_212 = tpu.memref_squeeze %dma_start3A_211 : memref<1x128xi32, #tpu.memory_space<vmem>> -> memref<128xi32, #tpu.memory_space<vmem>>
      %dma_start3A_213 = arith.constant 0 : i32
      %dma_start3A_214 = arith.constant 0 : i32
      %dma_start3A_215 = tpu.memref_slice %arg6[%dma_start3A_213, %dma_start3A_214] : memref<100000x16xf32, #tpu.memory_space<vmem_shared>> -> memref<100000x16xf32, #tpu.memory_space<vmem_shared>>
      tpu.enqueue_indirect_dma source(%dma_start3A_209 : memref<128x16xf32, #tpu.memory_space<vmem>>) target(%dma_start3A_215 : memref<100000x16xf32, #tpu.memory_space<vmem_shared>>) offsets(%dma_start3A_212 : memref<128xi32, #tpu.memory_space<vmem>>) semaphore(%arg15 : memref<!tpu.dma_semaphore, #tpu.memory_space<semaphore_mem>>) {add = true}
      %dma_start3A_216 = arith.constant 2 : i32
      %dma_start3A_217 = arith.constant 256 : i32
      %dma_start3A_218 = arith.constant 0 : i32
      %dma_start3A_219 = tpu.memref_slice %arg9[%dma_start3A_217, %dma_start3A_218] : memref<640x16xf32, #tpu.memory_space<vmem>> -> memref<128x16xf32, #tpu.memory_space<vmem>>
      %dma_start3A_220 = arith.constant 0 : i32
      %dma_start3A_221 = tpu.memref_slice %arg7[%dma_start3A_216, %dma_start3A_220] : memref<5x128xi32, #tpu.memory_space<vmem>> -> memref<1x128xi32, #tpu.memory_space<vmem>>
      %dma_start3A_222 = tpu.memref_squeeze %dma_start3A_221 : memref<1x128xi32, #tpu.memory_space<vmem>> -> memref<128xi32, #tpu.memory_space<vmem>>
      %dma_start3A_223 = arith.constant 0 : i32
      %dma_start3A_224 = arith.constant 0 : i32
      %dma_start3A_225 = tpu.memref_slice %arg6[%dma_start3A_223, %dma_start3A_224] : memref<100000x16xf32, #tpu.memory_space<vmem_shared>> -> memref<100000x16xf32, #tpu.memory_space<vmem_shared>>
      tpu.enqueue_indirect_dma source(%dma_start3A_219 : memref<128x16xf32, #tpu.memory_space<vmem>>) target(%dma_start3A_225 : memref<100000x16xf32, #tpu.memory_space<vmem_shared>>) offsets(%dma_start3A_222 : memref<128xi32, #tpu.memory_space<vmem>>) semaphore(%arg15 : memref<!tpu.dma_semaphore, #tpu.memory_space<semaphore_mem>>) {add = true}
      %dma_start3A_226 = arith.constant 3 : i32
      %dma_start3A_227 = arith.constant 384 : i32
      %dma_start3A_228 = arith.constant 0 : i32
      %dma_start3A_229 = tpu.memref_slice %arg9[%dma_start3A_227, %dma_start3A_228] : memref<640x16xf32, #tpu.memory_space<vmem>> -> memref<128x16xf32, #tpu.memory_space<vmem>>
      %dma_start3A_230 = arith.constant 0 : i32
      %dma_start3A_231 = tpu.memref_slice %arg8[%dma_start3A_226, %dma_start3A_230] : memref<5x128xi32, #tpu.memory_space<vmem>> -> memref<1x128xi32, #tpu.memory_space<vmem>>
      %dma_start3A_232 = tpu.memref_squeeze %dma_start3A_231 : memref<1x128xi32, #tpu.memory_space<vmem>> -> memref<128xi32, #tpu.memory_space<vmem>>
      %dma_start3A_233 = arith.constant 0 : i32
      %dma_start3A_234 = arith.constant 0 : i32
      %dma_start3A_235 = tpu.memref_slice %arg6[%dma_start3A_233, %dma_start3A_234] : memref<100000x16xf32, #tpu.memory_space<vmem_shared>> -> memref<100000x16xf32, #tpu.memory_space<vmem_shared>>
      tpu.enqueue_indirect_dma source(%dma_start3A_229 : memref<128x16xf32, #tpu.memory_space<vmem>>) target(%dma_start3A_235 : memref<100000x16xf32, #tpu.memory_space<vmem_shared>>) offsets(%dma_start3A_232 : memref<128xi32, #tpu.memory_space<vmem>>) semaphore(%arg15 : memref<!tpu.dma_semaphore, #tpu.memory_space<semaphore_mem>>) {add = true}
      %dma_start3A_236 = arith.constant 3 : i32
      %dma_start3A_237 = arith.constant 384 : i32
      %dma_start3A_238 = arith.constant 0 : i32
      %dma_start3A_239 = tpu.memref_slice %arg9[%dma_start3A_237, %dma_start3A_238] : memref<640x16xf32, #tpu.memory_space<vmem>> -> memref<128x16xf32, #tpu.memory_space<vmem>>
      %dma_start3A_240 = arith.constant 0 : i32
      %dma_start3A_241 = tpu.memref_slice %arg7[%dma_start3A_236, %dma_start3A_240] : memref<5x128xi32, #tpu.memory_space<vmem>> -> memref<1x128xi32, #tpu.memory_space<vmem>>
      %dma_start3A_242 = tpu.memref_squeeze %dma_start3A_241 : memref<1x128xi32, #tpu.memory_space<vmem>> -> memref<128xi32, #tpu.memory_space<vmem>>
      %dma_start3A_243 = arith.constant 0 : i32
      %dma_start3A_244 = arith.constant 0 : i32
      %dma_start3A_245 = tpu.memref_slice %arg6[%dma_start3A_243, %dma_start3A_244] : memref<100000x16xf32, #tpu.memory_space<vmem_shared>> -> memref<100000x16xf32, #tpu.memory_space<vmem_shared>>
      tpu.enqueue_indirect_dma source(%dma_start3A_239 : memref<128x16xf32, #tpu.memory_space<vmem>>) target(%dma_start3A_245 : memref<100000x16xf32, #tpu.memory_space<vmem_shared>>) offsets(%dma_start3A_242 : memref<128xi32, #tpu.memory_space<vmem>>) semaphore(%arg15 : memref<!tpu.dma_semaphore, #tpu.memory_space<semaphore_mem>>) {add = true}
      %dma_start3A_246 = arith.constant 4 : i32
      %dma_start3A_247 = arith.constant 512 : i32
      %dma_start3A_248 = arith.constant 0 : i32
      %dma_start3A_249 = tpu.memref_slice %arg9[%dma_start3A_247, %dma_start3A_248] : memref<640x16xf32, #tpu.memory_space<vmem>> -> memref<128x16xf32, #tpu.memory_space<vmem>>
      %dma_start3A_250 = arith.constant 0 : i32
      %dma_start3A_251 = tpu.memref_slice %arg8[%dma_start3A_246, %dma_start3A_250] : memref<5x128xi32, #tpu.memory_space<vmem>> -> memref<1x128xi32, #tpu.memory_space<vmem>>
      %dma_start3A_252 = tpu.memref_squeeze %dma_start3A_251 : memref<1x128xi32, #tpu.memory_space<vmem>> -> memref<128xi32, #tpu.memory_space<vmem>>
      %dma_start3A_253 = arith.constant 0 : i32
      %dma_start3A_254 = arith.constant 0 : i32
      %dma_start3A_255 = tpu.memref_slice %arg6[%dma_start3A_253, %dma_start3A_254] : memref<100000x16xf32, #tpu.memory_space<vmem_shared>> -> memref<100000x16xf32, #tpu.memory_space<vmem_shared>>
      tpu.enqueue_indirect_dma source(%dma_start3A_249 : memref<128x16xf32, #tpu.memory_space<vmem>>) target(%dma_start3A_255 : memref<100000x16xf32, #tpu.memory_space<vmem_shared>>) offsets(%dma_start3A_252 : memref<128xi32, #tpu.memory_space<vmem>>) semaphore(%arg15 : memref<!tpu.dma_semaphore, #tpu.memory_space<semaphore_mem>>) {add = true}
      %dma_start3A_256 = arith.constant 4 : i32
      %dma_start3A_257 = arith.constant 512 : i32
      %dma_start3A_258 = arith.constant 0 : i32
      %dma_start3A_259 = tpu.memref_slice %arg9[%dma_start3A_257, %dma_start3A_258] : memref<640x16xf32, #tpu.memory_space<vmem>> -> memref<128x16xf32, #tpu.memory_space<vmem>>
      %dma_start3A_260 = arith.constant 0 : i32
      %dma_start3A_261 = tpu.memref_slice %arg7[%dma_start3A_256, %dma_start3A_260] : memref<5x128xi32, #tpu.memory_space<vmem>> -> memref<1x128xi32, #tpu.memory_space<vmem>>
      %dma_start3A_262 = tpu.memref_squeeze %dma_start3A_261 : memref<1x128xi32, #tpu.memory_space<vmem>> -> memref<128xi32, #tpu.memory_space<vmem>>
      %dma_start3A_263 = arith.constant 0 : i32
      %dma_start3A_264 = arith.constant 0 : i32
      %dma_start3A_265 = tpu.memref_slice %arg6[%dma_start3A_263, %dma_start3A_264] : memref<100000x16xf32, #tpu.memory_space<vmem_shared>> -> memref<100000x16xf32, #tpu.memory_space<vmem_shared>>
      tpu.enqueue_indirect_dma source(%dma_start3A_259 : memref<128x16xf32, #tpu.memory_space<vmem>>) target(%dma_start3A_265 : memref<100000x16xf32, #tpu.memory_space<vmem_shared>>) offsets(%dma_start3A_262 : memref<128xi32, #tpu.memory_space<vmem>>) semaphore(%arg15 : memref<!tpu.dma_semaphore, #tpu.memory_space<semaphore_mem>>) {add = true}
      %dma_wait3A_266 = arith.constant 0 : i32
      %dma_wait3A_267 = arith.constant 0 : i32
      %dma_wait3A_268 = tpu.memref_slice %arg2[%dma_wait3A_266, %dma_wait3A_267] : memref<3200000x16xf32, #tpu.memory_space<hbm>> -> memref<640x16xf32, #tpu.memory_space<hbm>>
      %dma_wait3A_269 = arith.constant 0 : i32
      %dma_wait3A_270 = arith.constant 0 : i32
      %dma_wait3A_271 = tpu.memref_slice %arg2[%dma_wait3A_269, %dma_wait3A_270] : memref<3200000x16xf32, #tpu.memory_space<hbm>> -> memref<640x16xf32, #tpu.memory_space<hbm>>
      tpu.wait_dma2 semaphore(%arg14 : memref<!tpu.dma_semaphore, #tpu.memory_space<semaphore_mem>>) src(%dma_wait3A_271 : memref<640x16xf32, #tpu.memory_space<hbm>>) dst(%arg12 : memref<640x16xf32, #tpu.memory_space<vmem>>)
      %dma_wait3A_272 = arith.constant 1 : i32
      %dma_wait3A_273 = arith.constant 0 : i32
      %dma_wait3A_274 = arith.constant 0 : i32
      %dma_wait3A_275 = tpu.memref_slice %arg3[%dma_wait3A_272, %dma_wait3A_273, %dma_wait3A_274] : memref<2x25000x128xi32, #tpu.memory_space<hbm>> -> memref<1x5x128xi32, #tpu.memory_space<hbm>>
      %dma_wait3A_276 = tpu.memref_squeeze %dma_wait3A_275 : memref<1x5x128xi32, #tpu.memory_space<hbm>> -> memref<5x128xi32, #tpu.memory_space<hbm>>
      %dma_wait3A_277 = arith.constant 0 : i32
      %dma_wait3A_278 = arith.constant 0 : i32
      %dma_wait3A_279 = tpu.memref_slice %arg3[%dma_wait3A_272, %dma_wait3A_277, %dma_wait3A_278] : memref<2x25000x128xi32, #tpu.memory_space<hbm>> -> memref<1x5x128xi32, #tpu.memory_space<hbm>>
      %dma_wait3A_280 = tpu.memref_squeeze %dma_wait3A_279 : memref<1x5x128xi32, #tpu.memory_space<hbm>> -> memref<5x128xi32, #tpu.memory_space<hbm>>
      tpu.wait_dma2 semaphore(%arg14 : memref<!tpu.dma_semaphore, #tpu.memory_space<semaphore_mem>>) src(%dma_wait3A_280 : memref<5x128xi32, #tpu.memory_space<hbm>>) dst(%arg11 : memref<5x128xi32, #tpu.memory_space<vmem>>)
      %dma_wait3A_281 = arith.constant 0 : i32
      %dma_wait3A_282 = arith.constant 0 : i32
      %dma_wait3A_283 = arith.constant 0 : i32
      %dma_wait3A_284 = tpu.memref_slice %arg3[%dma_wait3A_281, %dma_wait3A_282, %dma_wait3A_283] : memref<2x25000x128xi32, #tpu.memory_space<hbm>> -> memref<1x5x128xi32, #tpu.memory_space<hbm>>
      %dma_wait3A_285 = tpu.memref_squeeze %dma_wait3A_284 : memref<1x5x128xi32, #tpu.memory_space<hbm>> -> memref<5x128xi32, #tpu.memory_space<hbm>>
      %dma_wait3A_286 = arith.constant 0 : i32
      %dma_wait3A_287 = arith.constant 0 : i32
      %dma_wait3A_288 = tpu.memref_slice %arg3[%dma_wait3A_281, %dma_wait3A_286, %dma_wait3A_287] : memref<2x25000x128xi32, #tpu.memory_space<hbm>> -> memref<1x5x128xi32, #tpu.memory_space<hbm>>
      %dma_wait3A_289 = tpu.memref_squeeze %dma_wait3A_288 : memref<1x5x128xi32, #tpu.memory_space<hbm>> -> memref<5x128xi32, #tpu.memory_space<hbm>>
      tpu.wait_dma2 semaphore(%arg14 : memref<!tpu.dma_semaphore, #tpu.memory_space<semaphore_mem>>) src(%dma_wait3A_289 : memref<5x128xi32, #tpu.memory_space<hbm>>) dst(%arg10 : memref<5x128xi32, #tpu.memory_space<vmem>>)
      %dma_start3A_290 = arith.constant 0 : i32
      %dma_start3A_291 = arith.constant 0 : i32
      %dma_start3A_292 = arith.constant 0 : i32
      %dma_start3A_293 = tpu.memref_slice %arg12[%dma_start3A_291, %dma_start3A_292] : memref<640x16xf32, #tpu.memory_space<vmem>> -> memref<128x16xf32, #tpu.memory_space<vmem>>
      %dma_start3A_294 = arith.constant 0 : i32
      %dma_start3A_295 = tpu.memref_slice %arg11[%dma_start3A_290, %dma_start3A_294] : memref<5x128xi32, #tpu.memory_space<vmem>> -> memref<1x128xi32, #tpu.memory_space<vmem>>
      %dma_start3A_296 = tpu.memref_squeeze %dma_start3A_295 : memref<1x128xi32, #tpu.memory_space<vmem>> -> memref<128xi32, #tpu.memory_space<vmem>>
      %dma_start3A_297 = arith.constant 0 : i32
      %dma_start3A_298 = arith.constant 0 : i32
      %dma_start3A_299 = tpu.memref_slice %arg6[%dma_start3A_297, %dma_start3A_298] : memref<100000x16xf32, #tpu.memory_space<vmem_shared>> -> memref<100000x16xf32, #tpu.memory_space<vmem_shared>>
      tpu.enqueue_indirect_dma source(%dma_start3A_293 : memref<128x16xf32, #tpu.memory_space<vmem>>) target(%dma_start3A_299 : memref<100000x16xf32, #tpu.memory_space<vmem_shared>>) offsets(%dma_start3A_296 : memref<128xi32, #tpu.memory_space<vmem>>) semaphore(%arg16 : memref<!tpu.dma_semaphore, #tpu.memory_space<semaphore_mem>>) {add = true}
      %dma_start3A_300 = arith.constant 0 : i32
      %dma_start3A_301 = arith.constant 0 : i32
      %dma_start3A_302 = arith.constant 0 : i32
      %dma_start3A_303 = tpu.memref_slice %arg12[%dma_start3A_301, %dma_start3A_302] : memref<640x16xf32, #tpu.memory_space<vmem>> -> memref<128x16xf32, #tpu.memory_space<vmem>>
      %dma_start3A_304 = arith.constant 0 : i32
      %dma_start3A_305 = tpu.memref_slice %arg10[%dma_start3A_300, %dma_start3A_304] : memref<5x128xi32, #tpu.memory_space<vmem>> -> memref<1x128xi32, #tpu.memory_space<vmem>>
      %dma_start3A_306 = tpu.memref_squeeze %dma_start3A_305 : memref<1x128xi32, #tpu.memory_space<vmem>> -> memref<128xi32, #tpu.memory_space<vmem>>
      %dma_start3A_307 = arith.constant 0 : i32
      %dma_start3A_308 = arith.constant 0 : i32
      %dma_start3A_309 = tpu.memref_slice %arg6[%dma_start3A_307, %dma_start3A_308] : memref<100000x16xf32, #tpu.memory_space<vmem_shared>> -> memref<100000x16xf32, #tpu.memory_space<vmem_shared>>
      tpu.enqueue_indirect_dma source(%dma_start3A_303 : memref<128x16xf32, #tpu.memory_space<vmem>>) target(%dma_start3A_309 : memref<100000x16xf32, #tpu.memory_space<vmem_shared>>) offsets(%dma_start3A_306 : memref<128xi32, #tpu.memory_space<vmem>>) semaphore(%arg16 : memref<!tpu.dma_semaphore, #tpu.memory_space<semaphore_mem>>) {add = true}
      %dma_start3A_310 = arith.constant 1 : i32
      %dma_start3A_311 = arith.constant 128 : i32
      %dma_start3A_312 = arith.constant 0 : i32
      %dma_start3A_313 = tpu.memref_slice %arg12[%dma_start3A_311, %dma_start3A_312] : memref<640x16xf32, #tpu.memory_space<vmem>> -> memref<128x16xf32, #tpu.memory_space<vmem>>
      %dma_start3A_314 = arith.constant 0 : i32
      %dma_start3A_315 = tpu.memref_slice %arg11[%dma_start3A_310, %dma_start3A_314] : memref<5x128xi32, #tpu.memory_space<vmem>> -> memref<1x128xi32, #tpu.memory_space<vmem>>
      %dma_start3A_316 = tpu.memref_squeeze %dma_start3A_315 : memref<1x128xi32, #tpu.memory_space<vmem>> -> memref<128xi32, #tpu.memory_space<vmem>>
      %dma_start3A_317 = arith.constant 0 : i32
      %dma_start3A_318 = arith.constant 0 : i32
      %dma_start3A_319 = tpu.memref_slice %arg6[%dma_start3A_317, %dma_start3A_318] : memref<100000x16xf32, #tpu.memory_space<vmem_shared>> -> memref<100000x16xf32, #tpu.memory_space<vmem_shared>>
      tpu.enqueue_indirect_dma source(%dma_start3A_313 : memref<128x16xf32, #tpu.memory_space<vmem>>) target(%dma_start3A_319 : memref<100000x16xf32, #tpu.memory_space<vmem_shared>>) offsets(%dma_start3A_316 : memref<128xi32, #tpu.memory_space<vmem>>) semaphore(%arg16 : memref<!tpu.dma_semaphore, #tpu.memory_space<semaphore_mem>>) {add = true}
      %dma_start3A_320 = arith.constant 1 : i32
      %dma_start3A_321 = arith.constant 128 : i32
      %dma_start3A_322 = arith.constant 0 : i32
      %dma_start3A_323 = tpu.memref_slice %arg12[%dma_start3A_321, %dma_start3A_322] : memref<640x16xf32, #tpu.memory_space<vmem>> -> memref<128x16xf32, #tpu.memory_space<vmem>>
      %dma_start3A_324 = arith.constant 0 : i32
      %dma_start3A_325 = tpu.memref_slice %arg10[%dma_start3A_320, %dma_start3A_324] : memref<5x128xi32, #tpu.memory_space<vmem>> -> memref<1x128xi32, #tpu.memory_space<vmem>>
      %dma_start3A_326 = tpu.memref_squeeze %dma_start3A_325 : memref<1x128xi32, #tpu.memory_space<vmem>> -> memref<128xi32, #tpu.memory_space<vmem>>
      %dma_start3A_327 = arith.constant 0 : i32
      %dma_start3A_328 = arith.constant 0 : i32
      %dma_start3A_329 = tpu.memref_slice %arg6[%dma_start3A_327, %dma_start3A_328] : memref<100000x16xf32, #tpu.memory_space<vmem_shared>> -> memref<100000x16xf32, #tpu.memory_space<vmem_shared>>
      tpu.enqueue_indirect_dma source(%dma_start3A_323 : memref<128x16xf32, #tpu.memory_space<vmem>>) target(%dma_start3A_329 : memref<100000x16xf32, #tpu.memory_space<vmem_shared>>) offsets(%dma_start3A_326 : memref<128xi32, #tpu.memory_space<vmem>>) semaphore(%arg16 : memref<!tpu.dma_semaphore, #tpu.memory_space<semaphore_mem>>) {add = true}
      %dma_start3A_330 = arith.constant 2 : i32
      %dma_start3A_331 = arith.constant 256 : i32
      %dma_start3A_332 = arith.constant 0 : i32
      %dma_start3A_333 = tpu.memref_slice %arg12[%dma_start3A_331, %dma_start3A_332] : memref<640x16xf32, #tpu.memory_space<vmem>> -> memref<128x16xf32, #tpu.memory_space<vmem>>
      %dma_start3A_334 = arith.constant 0 : i32
      %dma_start3A_335 = tpu.memref_slice %arg11[%dma_start3A_330, %dma_start3A_334] : memref<5x128xi32, #tpu.memory_space<vmem>> -> memref<1x128xi32, #tpu.memory_space<vmem>>
      %dma_start3A_336 = tpu.memref_squeeze %dma_start3A_335 : memref<1x128xi32, #tpu.memory_space<vmem>> -> memref<128xi32, #tpu.memory_space<vmem>>
      %dma_start3A_337 = arith.constant 0 : i32
      %dma_start3A_338 = arith.constant 0 : i32
      %dma_start3A_339 = tpu.memref_slice %arg6[%dma_start3A_337, %dma_start3A_338] : memref<100000x16xf32, #tpu.memory_space<vmem_shared>> -> memref<100000x16xf32, #tpu.memory_space<vmem_shared>>
      tpu.enqueue_indirect_dma source(%dma_start3A_333 : memref<128x16xf32, #tpu.memory_space<vmem>>) target(%dma_start3A_339 : memref<100000x16xf32, #tpu.memory_space<vmem_shared>>) offsets(%dma_start3A_336 : memref<128xi32, #tpu.memory_space<vmem>>) semaphore(%arg16 : memref<!tpu.dma_semaphore, #tpu.memory_space<semaphore_mem>>) {add = true}
      %dma_start3A_340 = arith.constant 2 : i32
      %dma_start3A_341 = arith.constant 256 : i32
      %dma_start3A_342 = arith.constant 0 : i32
      %dma_start3A_343 = tpu.memref_slice %arg12[%dma_start3A_341, %dma_start3A_342] : memref<640x16xf32, #tpu.memory_space<vmem>> -> memref<128x16xf32, #tpu.memory_space<vmem>>
      %dma_start3A_344 = arith.constant 0 : i32
      %dma_start3A_345 = tpu.memref_slice %arg10[%dma_start3A_340, %dma_start3A_344] : memref<5x128xi32, #tpu.memory_space<vmem>> -> memref<1x128xi32, #tpu.memory_space<vmem>>
      %dma_start3A_346 = tpu.memref_squeeze %dma_start3A_345 : memref<1x128xi32, #tpu.memory_space<vmem>> -> memref<128xi32, #tpu.memory_space<vmem>>
      %dma_start3A_347 = arith.constant 0 : i32
      %dma_start3A_348 = arith.constant 0 : i32
      %dma_start3A_349 = tpu.memref_slice %arg6[%dma_start3A_347, %dma_start3A_348] : memref<100000x16xf32, #tpu.memory_space<vmem_shared>> -> memref<100000x16xf32, #tpu.memory_space<vmem_shared>>
      tpu.enqueue_indirect_dma source(%dma_start3A_343 : memref<128x16xf32, #tpu.memory_space<vmem>>) target(%dma_start3A_349 : memref<100000x16xf32, #tpu.memory_space<vmem_shared>>) offsets(%dma_start3A_346 : memref<128xi32, #tpu.memory_space<vmem>>) semaphore(%arg16 : memref<!tpu.dma_semaphore, #tpu.memory_space<semaphore_mem>>) {add = true}
      %dma_start3A_350 = arith.constant 3 : i32
      %dma_start3A_351 = arith.constant 384 : i32
      %dma_start3A_352 = arith.constant 0 : i32
      %dma_start3A_353 = tpu.memref_slice %arg12[%dma_start3A_351, %dma_start3A_352] : memref<640x16xf32, #tpu.memory_space<vmem>> -> memref<128x16xf32, #tpu.memory_space<vmem>>
      %dma_start3A_354 = arith.constant 0 : i32
      %dma_start3A_355 = tpu.memref_slice %arg11[%dma_start3A_350, %dma_start3A_354] : memref<5x128xi32, #tpu.memory_space<vmem>> -> memref<1x128xi32, #tpu.memory_space<vmem>>
      %dma_start3A_356 = tpu.memref_squeeze %dma_start3A_355 : memref<1x128xi32, #tpu.memory_space<vmem>> -> memref<128xi32, #tpu.memory_space<vmem>>
      %dma_start3A_357 = arith.constant 0 : i32
      %dma_start3A_358 = arith.constant 0 : i32
      %dma_start3A_359 = tpu.memref_slice %arg6[%dma_start3A_357, %dma_start3A_358] : memref<100000x16xf32, #tpu.memory_space<vmem_shared>> -> memref<100000x16xf32, #tpu.memory_space<vmem_shared>>
      tpu.enqueue_indirect_dma source(%dma_start3A_353 : memref<128x16xf32, #tpu.memory_space<vmem>>) target(%dma_start3A_359 : memref<100000x16xf32, #tpu.memory_space<vmem_shared>>) offsets(%dma_start3A_356 : memref<128xi32, #tpu.memory_space<vmem>>) semaphore(%arg16 : memref<!tpu.dma_semaphore, #tpu.memory_space<semaphore_mem>>) {add = true}
      %dma_start3A_360 = arith.constant 3 : i32
      %dma_start3A_361 = arith.constant 384 : i32
      %dma_start3A_362 = arith.constant 0 : i32
      %dma_start3A_363 = tpu.memref_slice %arg12[%dma_start3A_361, %dma_start3A_362] : memref<640x16xf32, #tpu.memory_space<vmem>> -> memref<128x16xf32, #tpu.memory_space<vmem>>
      %dma_start3A_364 = arith.constant 0 : i32
      %dma_start3A_365 = tpu.memref_slice %arg10[%dma_start3A_360, %dma_start3A_364] : memref<5x128xi32, #tpu.memory_space<vmem>> -> memref<1x128xi32, #tpu.memory_space<vmem>>
      %dma_start3A_366 = tpu.memref_squeeze %dma_start3A_365 : memref<1x128xi32, #tpu.memory_space<vmem>> -> memref<128xi32, #tpu.memory_space<vmem>>
      %dma_start3A_367 = arith.constant 0 : i32
      %dma_start3A_368 = arith.constant 0 : i32
      %dma_start3A_369 = tpu.memref_slice %arg6[%dma_start3A_367, %dma_start3A_368] : memref<100000x16xf32, #tpu.memory_space<vmem_shared>> -> memref<100000x16xf32, #tpu.memory_space<vmem_shared>>
      tpu.enqueue_indirect_dma source(%dma_start3A_363 : memref<128x16xf32, #tpu.memory_space<vmem>>) target(%dma_start3A_369 : memref<100000x16xf32, #tpu.memory_space<vmem_shared>>) offsets(%dma_start3A_366 : memref<128xi32, #tpu.memory_space<vmem>>) semaphore(%arg16 : memref<!tpu.dma_semaphore, #tpu.memory_space<semaphore_mem>>) {add = true}
      %dma_start3A_370 = arith.constant 4 : i32
      %dma_start3A_371 = arith.constant 512 : i32
      %dma_start3A_372 = arith.constant 0 : i32
      %dma_start3A_373 = tpu.memref_slice %arg12[%dma_start3A_371, %dma_start3A_372] : memref<640x16xf32, #tpu.memory_space<vmem>> -> memref<128x16xf32, #tpu.memory_space<vmem>>
      %dma_start3A_374 = arith.constant 0 : i32
      %dma_start3A_375 = tpu.memref_slice %arg11[%dma_start3A_370, %dma_start3A_374] : memref<5x128xi32, #tpu.memory_space<vmem>> -> memref<1x128xi32, #tpu.memory_space<vmem>>
      %dma_start3A_376 = tpu.memref_squeeze %dma_start3A_375 : memref<1x128xi32, #tpu.memory_space<vmem>> -> memref<128xi32, #tpu.memory_space<vmem>>
      %dma_start3A_377 = arith.constant 0 : i32
      %dma_start3A_378 = arith.constant 0 : i32
      %dma_start3A_379 = tpu.memref_slice %arg6[%dma_start3A_377, %dma_start3A_378] : memref<100000x16xf32, #tpu.memory_space<vmem_shared>> -> memref<100000x16xf32, #tpu.memory_space<vmem_shared>>
      tpu.enqueue_indirect_dma source(%dma_start3A_373 : memref<128x16xf32, #tpu.memory_space<vmem>>) target(%dma_start3A_379 : memref<100000x16xf32, #tpu.memory_space<vmem_shared>>) offsets(%dma_start3A_376 : memref<128xi32, #tpu.memory_space<vmem>>) semaphore(%arg16 : memref<!tpu.dma_semaphore, #tpu.memory_space<semaphore_mem>>) {add = true}
      %dma_start3A_380 = arith.constant 4 : i32
      %dma_start3A_381 = arith.constant 512 : i32
      %dma_start3A_382 = arith.constant 0 : i32
      %dma_start3A_383 = tpu.memref_slice %arg12[%dma_start3A_381, %dma_start3A_382] : memref<640x16xf32, #tpu.memory_space<vmem>> -> memref<128x16xf32, #tpu.memory_space<vmem>>
      %dma_start3A_384 = arith.constant 0 : i32
      %dma_start3A_385 = tpu.memref_slice %arg10[%dma_start3A_380, %dma_start3A_384] : memref<5x128xi32, #tpu.memory_space<vmem>> -> memref<1x128xi32, #tpu.memory_space<vmem>>
      %dma_start3A_386 = tpu.memref_squeeze %dma_start3A_385 : memref<1x128xi32, #tpu.memory_space<vmem>> -> memref<128xi32, #tpu.memory_space<vmem>>
      %dma_start3A_387 = arith.constant 0 : i32
      %dma_start3A_388 = arith.constant 0 : i32
      %dma_start3A_389 = tpu.memref_slice %arg6[%dma_start3A_387, %dma_start3A_388] : memref<100000x16xf32, #tpu.memory_space<vmem_shared>> -> memref<100000x16xf32, #tpu.memory_space<vmem_shared>>
      tpu.enqueue_indirect_dma source(%dma_start3A_383 : memref<128x16xf32, #tpu.memory_space<vmem>>) target(%dma_start3A_389 : memref<100000x16xf32, #tpu.memory_space<vmem_shared>>) offsets(%dma_start3A_386 : memref<128xi32, #tpu.memory_space<vmem>>) semaphore(%arg16 : memref<!tpu.dma_semaphore, #tpu.memory_space<semaphore_mem>>) {add = true}
      %dma_wait3A_390 = arith.constant 0 : i32
      %dma_wait3A_391 = arith.constant 0 : i32
      %dma_wait3A_392 = tpu.memref_slice %arg4[%dma_wait3A_390, %dma_wait3A_391] : memref<100000x16xf32, #tpu.memory_space<hbm>> -> memref<640x16xf32, #tpu.memory_space<hbm>>
      %dma_wait3A_393 = arith.constant 0 : i32
      %dma_wait3A_394 = arith.constant 0 : i32
      %dma_wait3A_395 = tpu.memref_slice %arg4[%dma_wait3A_393, %dma_wait3A_394] : memref<100000x16xf32, #tpu.memory_space<hbm>> -> memref<640x16xf32, #tpu.memory_space<hbm>>
      tpu.wait_dma2 semaphore(%arg15 : memref<!tpu.dma_semaphore, #tpu.memory_space<semaphore_mem>>) src(%dma_wait3A_395 : memref<640x16xf32, #tpu.memory_space<hbm>>) dst(%arg9 : memref<640x16xf32, #tpu.memory_space<vmem>>)
      %dma_wait3A_396 = arith.constant 0 : i32
      %dma_wait3A_397 = arith.constant 0 : i32
      %dma_wait3A_398 = tpu.memref_slice %arg4[%dma_wait3A_396, %dma_wait3A_397] : memref<100000x16xf32, #tpu.memory_space<hbm>> -> memref<640x16xf32, #tpu.memory_space<hbm>>
      %dma_wait3A_399 = arith.constant 0 : i32
      %dma_wait3A_400 = arith.constant 0 : i32
      %dma_wait3A_401 = tpu.memref_slice %arg4[%dma_wait3A_399, %dma_wait3A_400] : memref<100000x16xf32, #tpu.memory_space<hbm>> -> memref<640x16xf32, #tpu.memory_space<hbm>>
      tpu.wait_dma2 semaphore(%arg15 : memref<!tpu.dma_semaphore, #tpu.memory_space<semaphore_mem>>) src(%dma_wait3A_401 : memref<640x16xf32, #tpu.memory_space<hbm>>) dst(%arg9 : memref<640x16xf32, #tpu.memory_space<vmem>>)
      %add3A_402 = arith.constant 2 : i32
      %add3A_403 = arith.addi %add3A_115, %add3A_402 : i32
      %add3A_404 = arith.addi %add3A_4, %add3A_8 : i32
      %sub3A_405 = arith.constant 1 : i32
      %sub3A_406 = arith.subi %add3A_404, %sub3A_405 : i32
      %min3A_407 = arith.minsi %add3A_403, %sub3A_406 : i32
      %mul3A_408 = arith.constant 640 : i32
      %mul3A_409 = arith.muli %min3A_407, %mul3A_408 : i32
      %dma_start3A_410 = arith.constant 0 : i32
      %dma_start3A_411 = tpu.memref_slice %arg2[%mul3A_409, %dma_start3A_410] : memref<3200000x16xf32, #tpu.memory_space<hbm>> -> memref<640x16xf32, #tpu.memory_space<hbm>>
      %dma_start3A_412 = arith.constant 0 : i32
      %dma_start3A_413 = tpu.memref_slice %arg2[%mul3A_409, %dma_start3A_412] : memref<3200000x16xf32, #tpu.memory_space<hbm>> -> memref<640x16xf32, #tpu.memory_space<hbm>>
      tpu.enqueue_dma source(%dma_start3A_413 : memref<640x16xf32, #tpu.memory_space<hbm>>) target(%arg9 : memref<640x16xf32, #tpu.memory_space<vmem>>) target_semaphore(%arg13 : memref<!tpu.dma_semaphore, #tpu.memory_space<semaphore_mem>>)
      %mul3A_414 = arith.constant 5 : i32
      %mul3A_415 = arith.muli %min3A_407, %mul3A_414 : i32
      %dma_start3A_416 = arith.constant 1 : i32
      %dma_start3A_417 = arith.constant 0 : i32
      %dma_start3A_418 = tpu.memref_slice %arg3[%dma_start3A_416, %mul3A_415, %dma_start3A_417] : memref<2x25000x128xi32, #tpu.memory_space<hbm>> -> memref<1x5x128xi32, #tpu.memory_space<hbm>>
      %dma_start3A_419 = tpu.memref_squeeze %dma_start3A_418 : memref<1x5x128xi32, #tpu.memory_space<hbm>> -> memref<5x128xi32, #tpu.memory_space<hbm>>
      %dma_start3A_420 = arith.constant 0 : i32
      %dma_start3A_421 = tpu.memref_slice %arg3[%dma_start3A_416, %mul3A_415, %dma_start3A_420] : memref<2x25000x128xi32, #tpu.memory_space<hbm>> -> memref<1x5x128xi32, #tpu.memory_space<hbm>>
      %dma_start3A_422 = tpu.memref_squeeze %dma_start3A_421 : memref<1x5x128xi32, #tpu.memory_space<hbm>> -> memref<5x128xi32, #tpu.memory_space<hbm>>
      tpu.enqueue_dma source(%dma_start3A_422 : memref<5x128xi32, #tpu.memory_space<hbm>>) target(%arg8 : memref<5x128xi32, #tpu.memory_space<vmem>>) target_semaphore(%arg13 : memref<!tpu.dma_semaphore, #tpu.memory_space<semaphore_mem>>)
      %mul3A_423 = arith.constant 5 : i32
      %mul3A_424 = arith.muli %min3A_407, %mul3A_423 : i32
      %dma_start3A_425 = arith.constant 0 : i32
      %dma_start3A_426 = arith.constant 0 : i32
      %dma_start3A_427 = tpu.memref_slice %arg3[%dma_start3A_425, %mul3A_424, %dma_start3A_426] : memref<2x25000x128xi32, #tpu.memory_space<hbm>> -> memref<1x5x128xi32, #tpu.memory_space<hbm>>
      %dma_start3A_428 = tpu.memref_squeeze %dma_start3A_427 : memref<1x5x128xi32, #tpu.memory_space<hbm>> -> memref<5x128xi32, #tpu.memory_space<hbm>>
      %dma_start3A_429 = arith.constant 0 : i32
      %dma_start3A_430 = tpu.memref_slice %arg3[%dma_start3A_425, %mul3A_424, %dma_start3A_429] : memref<2x25000x128xi32, #tpu.memory_space<hbm>> -> memref<1x5x128xi32, #tpu.memory_space<hbm>>
      %dma_start3A_431 = tpu.memref_squeeze %dma_start3A_430 : memref<1x5x128xi32, #tpu.memory_space<hbm>> -> memref<5x128xi32, #tpu.memory_space<hbm>>
      tpu.enqueue_dma source(%dma_start3A_431 : memref<5x128xi32, #tpu.memory_space<hbm>>) target(%arg7 : memref<5x128xi32, #tpu.memory_space<vmem>>) target_semaphore(%arg13 : memref<!tpu.dma_semaphore, #tpu.memory_space<semaphore_mem>>)
      %dma_wait3A_432 = arith.constant 0 : i32
      %dma_wait3A_433 = arith.constant 0 : i32
      %dma_wait3A_434 = tpu.memref_slice %arg4[%dma_wait3A_432, %dma_wait3A_433] : memref<100000x16xf32, #tpu.memory_space<hbm>> -> memref<640x16xf32, #tpu.memory_space<hbm>>
      %dma_wait3A_435 = arith.constant 0 : i32
      %dma_wait3A_436 = arith.constant 0 : i32
      %dma_wait3A_437 = tpu.memref_slice %arg4[%dma_wait3A_435, %dma_wait3A_436] : memref<100000x16xf32, #tpu.memory_space<hbm>> -> memref<640x16xf32, #tpu.memory_space<hbm>>
      tpu.wait_dma2 semaphore(%arg16 : memref<!tpu.dma_semaphore, #tpu.memory_space<semaphore_mem>>) src(%dma_wait3A_437 : memref<640x16xf32, #tpu.memory_space<hbm>>) dst(%arg12 : memref<640x16xf32, #tpu.memory_space<vmem>>)
      %dma_wait3A_438 = arith.constant 0 : i32
      %dma_wait3A_439 = arith.constant 0 : i32
      %dma_wait3A_440 = tpu.memref_slice %arg4[%dma_wait3A_438, %dma_wait3A_439] : memref<100000x16xf32, #tpu.memory_space<hbm>> -> memref<640x16xf32, #tpu.memory_space<hbm>>
      %dma_wait3A_441 = arith.constant 0 : i32
      %dma_wait3A_442 = arith.constant 0 : i32
      %dma_wait3A_443 = tpu.memref_slice %arg4[%dma_wait3A_441, %dma_wait3A_442] : memref<100000x16xf32, #tpu.memory_space<hbm>> -> memref<640x16xf32, #tpu.memory_space<hbm>>
      tpu.wait_dma2 semaphore(%arg16 : memref<!tpu.dma_semaphore, #tpu.memory_space<semaphore_mem>>) src(%dma_wait3A_443 : memref<640x16xf32, #tpu.memory_space<hbm>>) dst(%arg12 : memref<640x16xf32, #tpu.memory_space<vmem>>)
    }
    %while3A_61 = arith.constant 1 : i32
    scf.for %while3A_112 = %while3A_59 to %while3A_55 step %while3A_61  : i32 {
      %mul3A_113 = arith.constant 2 : i32
      %mul3A_114 = arith.muli %mul3A_113, %while3A_112 : i32
      %add3A_115 = arith.addi %add3A_4, %mul3A_114 : i32
      %dma_wait3A_116 = arith.constant 0 : i32
      %dma_wait3A_117 = arith.constant 0 : i32
      %dma_wait3A_118 = tpu.memref_slice %arg2[%dma_wait3A_116, %dma_wait3A_117] : memref<3200000x16xf32, #tpu.memory_space<hbm>> -> memref<640x16xf32, #tpu.memory_space<hbm>>
      %dma_wait3A_119 = arith.constant 0 : i32
      %dma_wait3A_120 = arith.constant 0 : i32
      %dma_wait3A_121 = tpu.memref_slice %arg2[%dma_wait3A_119, %dma_wait3A_120] : memref<3200000x16xf32, #tpu.memory_space<hbm>> -> memref<640x16xf32, #tpu.memory_space<hbm>>
      tpu.wait_dma2 semaphore(%arg13 : memref<!tpu.dma_semaphore, #tpu.memory_space<semaphore_mem>>) src(%dma_wait3A_121 : memref<640x16xf32, #tpu.memory_space<hbm>>) dst(%arg9 : memref<640x16xf32, #tpu.memory_space<vmem>>)
      %dma_wait3A_122 = arith.constant 1 : i32
      %dma_wait3A_123 = arith.constant 0 : i32
      %dma_wait3A_124 = arith.constant 0 : i32
      %dma_wait3A_125 = tpu.memref_slice %arg3[%dma_wait3A_122, %dma_wait3A_123, %dma_wait3A_124] : memref<2x25000x128xi32, #tpu.memory_space<hbm>> -> memref<1x5x128xi32, #tpu.memory_space<hbm>>
      %dma_wait3A_126 = tpu.memref_squeeze %dma_wait3A_125 : memref<1x5x128xi32, #tpu.memory_space<hbm>> -> memref<5x128xi32, #tpu.memory_space<hbm>>
      %dma_wait3A_127 = arith.constant 0 : i32
      %dma_wait3A_128 = arith.constant 0 : i32
      %dma_wait3A_129 = tpu.memref_slice %arg3[%dma_wait3A_122, %dma_wait3A_127, %dma_wait3A_128] : memref<2x25000x128xi32, #tpu.memory_space<hbm>> -> memref<1x5x128xi32, #tpu.memory_space<hbm>>
      %dma_wait3A_130 = tpu.memref_squeeze %dma_wait3A_129 : memref<1x5x128xi32, #tpu.memory_space<hbm>> -> memref<5x128xi32, #tpu.memory_space<hbm>>
      tpu.wait_dma2 semaphore(%arg13 : memref<!tpu.dma_semaphore, #tpu.memory_space<semaphore_mem>>) src(%dma_wait3A_130 : memref<5x128xi32, #tpu.memory_space<hbm>>) dst(%arg8 : memref<5x128xi32, #tpu.memory_space<vmem>>)
      %dma_wait3A_131 = arith.constant 0 : i32
      %dma_wait3A_132 = arith.constant 0 : i32
      %dma_wait3A_133 = arith.constant 0 : i32
      %dma_wait3A_134 = tpu.memref_slice %arg3[%dma_wait3A_131, %dma_wait3A_132, %dma_wait3A_133] : memref<2x25000x128xi32, #tpu.memory_space<hbm>> -> memref<1x5x128xi32, #tpu.memory_space<hbm>>
      %dma_wait3A_135 = tpu.memref_squeeze %dma_wait3A_134 : memref<1x5x128xi32, #tpu.memory_space<hbm>> -> memref<5x128xi32, #tpu.memory_space<hbm>>
      %dma_wait3A_136 = arith.constant 0 : i32
      %dma_wait3A_137 = arith.constant 0 : i32
      %dma_wait3A_138 = tpu.memref_slice %arg3[%dma_wait3A_131, %dma_wait3A_136, %dma_wait3A_137] : memref<2x25000x128xi32, #tpu.memory_space<hbm>> -> memref<1x5x128xi32, #tpu.memory_space<hbm>>
      %dma_wait3A_139 = tpu.memref_squeeze %dma_wait3A_138 : memref<1x5x128xi32, #tpu.memory_space<hbm>> -> memref<5x128xi32, #tpu.memory_space<hbm>>
      tpu.wait_dma2 semaphore(%arg13 : memref<!tpu.dma_semaphore, #tpu.memory_space<semaphore_mem>>) src(%dma_wait3A_139 : memref<5x128xi32, #tpu.memory_space<hbm>>) dst(%arg7 : memref<5x128xi32, #tpu.memory_space<vmem>>)
      %add3A_140 = arith.constant 1 : i32
      %add3A_141 = arith.addi %add3A_115, %add3A_140 : i32
      %mul3A_142 = arith.constant 640 : i32
      %mul3A_143 = arith.muli %add3A_141, %mul3A_142 : i32
      %dma_start3A_144 = arith.constant 0 : i32
      %dma_start3A_145 = tpu.memref_slice %arg2[%mul3A_143, %dma_start3A_144] : memref<3200000x16xf32, #tpu.memory_space<hbm>> -> memref<640x16xf32, #tpu.memory_space<hbm>>
      %dma_start3A_146 = arith.constant 0 : i32
      %dma_start3A_147 = tpu.memref_slice %arg2[%mul3A_143, %dma_start3A_146] : memref<3200000x16xf32, #tpu.memory_space<hbm>> -> memref<640x16xf32, #tpu.memory_space<hbm>>
      tpu.enqueue_dma source(%dma_start3A_147 : memref<640x16xf32, #tpu.memory_space<hbm>>) target(%arg12 : memref<640x16xf32, #tpu.memory_space<vmem>>) target_semaphore(%arg14 : memref<!tpu.dma_semaphore, #tpu.memory_space<semaphore_mem>>)
      %mul3A_148 = arith.constant 5 : i32
      %mul3A_149 = arith.muli %add3A_141, %mul3A_148 : i32
      %dma_start3A_150 = arith.constant 1 : i32
      %dma_start3A_151 = arith.constant 0 : i32
      %dma_start3A_152 = tpu.memref_slice %arg3[%dma_start3A_150, %mul3A_149, %dma_start3A_151] : memref<2x25000x128xi32, #tpu.memory_space<hbm>> -> memref<1x5x128xi32, #tpu.memory_space<hbm>>
      %dma_start3A_153 = tpu.memref_squeeze %dma_start3A_152 : memref<1x5x128xi32, #tpu.memory_space<hbm>> -> memref<5x128xi32, #tpu.memory_space<hbm>>
      %dma_start3A_154 = arith.constant 0 : i32
      %dma_start3A_155 = tpu.memref_slice %arg3[%dma_start3A_150, %mul3A_149, %dma_start3A_154] : memref<2x25000x128xi32, #tpu.memory_space<hbm>> -> memref<1x5x128xi32, #tpu.memory_space<hbm>>
      %dma_start3A_156 = tpu.memref_squeeze %dma_start3A_155 : memref<1x5x128xi32, #tpu.memory_space<hbm>> -> memref<5x128xi32, #tpu.memory_space<hbm>>
      tpu.enqueue_dma source(%dma_start3A_156 : memref<5x128xi32, #tpu.memory_space<hbm>>) target(%arg11 : memref<5x128xi32, #tpu.memory_space<vmem>>) target_semaphore(%arg14 : memref<!tpu.dma_semaphore, #tpu.memory_space<semaphore_mem>>)
      %mul3A_157 = arith.constant 5 : i32
      %mul3A_158 = arith.muli %add3A_141, %mul3A_157 : i32
      %dma_start3A_159 = arith.constant 0 : i32
      %dma_start3A_160 = arith.constant 0 : i32
      %dma_start3A_161 = tpu.memref_slice %arg3[%dma_start3A_159, %mul3A_158, %dma_start3A_160] : memref<2x25000x128xi32, #tpu.memory_space<hbm>> -> memref<1x5x128xi32, #tpu.memory_space<hbm>>
      %dma_start3A_162 = tpu.memref_squeeze %dma_start3A_161 : memref<1x5x128xi32, #tpu.memory_space<hbm>> -> memref<5x128xi32, #tpu.memory_space<hbm>>
      %dma_start3A_163 = arith.constant 0 : i32
      %dma_start3A_164 = tpu.memref_slice %arg3[%dma_start3A_159, %mul3A_158, %dma_start3A_163] : memref<2x25000x128xi32, #tpu.memory_space<hbm>> -> memref<1x5x128xi32, #tpu.memory_space<hbm>>
      %dma_start3A_165 = tpu.memref_squeeze %dma_start3A_164 : memref<1x5x128xi32, #tpu.memory_space<hbm>> -> memref<5x128xi32, #tpu.memory_space<hbm>>
      tpu.enqueue_dma source(%dma_start3A_165 : memref<5x128xi32, #tpu.memory_space<hbm>>) target(%arg10 : memref<5x128xi32, #tpu.memory_space<vmem>>) target_semaphore(%arg14 : memref<!tpu.dma_semaphore, #tpu.memory_space<semaphore_mem>>)
      %dma_start3A_166 = arith.constant 0 : i32
      %dma_start3A_167 = arith.constant 0 : i32
      %dma_start3A_168 = arith.constant 0 : i32
      %dma_start3A_169 = tpu.memref_slice %arg9[%dma_start3A_167, %dma_start3A_168] : memref<640x16xf32, #tpu.memory_space<vmem>> -> memref<128x16xf32, #tpu.memory_space<vmem>>
      %dma_start3A_170 = arith.constant 0 : i32
      %dma_start3A_171 = tpu.memref_slice %arg8[%dma_start3A_166, %dma_start3A_170] : memref<5x128xi32, #tpu.memory_space<vmem>> -> memref<1x128xi32, #tpu.memory_space<vmem>>
      %dma_start3A_172 = tpu.memref_squeeze %dma_start3A_171 : memref<1x128xi32, #tpu.memory_space<vmem>> -> memref<128xi32, #tpu.memory_space<vmem>>
      %dma_start3A_173 = arith.constant 0 : i32
      %dma_start3A_174 = arith.constant 0 : i32
      %dma_start3A_175 = tpu.memref_slice %arg6[%dma_start3A_173, %dma_start3A_174] : memref<100000x16xf32, #tpu.memory_space<vmem_shared>> -> memref<100000x16xf32, #tpu.memory_space<vmem_shared>>
      tpu.enqueue_indirect_dma source(%dma_start3A_169 : memref<128x16xf32, #tpu.memory_space<vmem>>) target(%dma_start3A_175 : memref<100000x16xf32, #tpu.memory_space<vmem_shared>>) offsets(%dma_start3A_172 : memref<128xi32, #tpu.memory_space<vmem>>) semaphore(%arg15 : memref<!tpu.dma_semaphore, #tpu.memory_space<semaphore_mem>>) {add = true}
      %dma_start3A_176 = arith.constant 0 : i32
      %dma_start3A_177 = arith.constant 0 : i32
      %dma_start3A_178 = arith.constant 0 : i32
      %dma_start3A_179 = tpu.memref_slice %arg9[%dma_start3A_177, %dma_start3A_178] : memref<640x16xf32, #tpu.memory_space<vmem>> -> memref<128x16xf32, #tpu.memory_space<vmem>>
      %dma_start3A_180 = arith.constant 0 : i32
      %dma_start3A_181 = tpu.memref_slice %arg7[%dma_start3A_176, %dma_start3A_180] : memref<5x128xi32, #tpu.memory_space<vmem>> -> memref<1x128xi32, #tpu.memory_space<vmem>>
      %dma_start3A_182 = tpu.memref_squeeze %dma_start3A_181 : memref<1x128xi32, #tpu.memory_space<vmem>> -> memref<128xi32, #tpu.memory_space<vmem>>
      %dma_start3A_183 = arith.constant 0 : i32
      %dma_start3A_184 = arith.constant 0 : i32
      %dma_start3A_185 = tpu.memref_slice %arg6[%dma_start3A_183, %dma_start3A_184] : memref<100000x16xf32, #tpu.memory_space<vmem_shared>> -> memref<100000x16xf32, #tpu.memory_space<vmem_shared>>
      tpu.enqueue_indirect_dma source(%dma_start3A_179 : memref<128x16xf32, #tpu.memory_space<vmem>>) target(%dma_start3A_185 : memref<100000x16xf32, #tpu.memory_space<vmem_shared>>) offsets(%dma_start3A_182 : memref<128xi32, #tpu.memory_space<vmem>>) semaphore(%arg15 : memref<!tpu.dma_semaphore, #tpu.memory_space<semaphore_mem>>) {add = true}
      %dma_start3A_186 = arith.constant 1 : i32
      %dma_start3A_187 = arith.constant 128 : i32
      %dma_start3A_188 = arith.constant 0 : i32
      %dma_start3A_189 = tpu.memref_slice %arg9[%dma_start3A_187, %dma_start3A_188] : memref<640x16xf32, #tpu.memory_space<vmem>> -> memref<128x16xf32, #tpu.memory_space<vmem>>
      %dma_start3A_190 = arith.constant 0 : i32
      %dma_start3A_191 = tpu.memref_slice %arg8[%dma_start3A_186, %dma_start3A_190] : memref<5x128xi32, #tpu.memory_space<vmem>> -> memref<1x128xi32, #tpu.memory_space<vmem>>
      %dma_start3A_192 = tpu.memref_squeeze %dma_start3A_191 : memref<1x128xi32, #tpu.memory_space<vmem>> -> memref<128xi32, #tpu.memory_space<vmem>>
      %dma_start3A_193 = arith.constant 0 : i32
      %dma_start3A_194 = arith.constant 0 : i32
      %dma_start3A_195 = tpu.memref_slice %arg6[%dma_start3A_193, %dma_start3A_194] : memref<100000x16xf32, #tpu.memory_space<vmem_shared>> -> memref<100000x16xf32, #tpu.memory_space<vmem_shared>>
      tpu.enqueue_indirect_dma source(%dma_start3A_189 : memref<128x16xf32, #tpu.memory_space<vmem>>) target(%dma_start3A_195 : memref<100000x16xf32, #tpu.memory_space<vmem_shared>>) offsets(%dma_start3A_192 : memref<128xi32, #tpu.memory_space<vmem>>) semaphore(%arg15 : memref<!tpu.dma_semaphore, #tpu.memory_space<semaphore_mem>>) {add = true}
      %dma_start3A_196 = arith.constant 1 : i32
      %dma_start3A_197 = arith.constant 128 : i32
      %dma_start3A_198 = arith.constant 0 : i32
      %dma_start3A_199 = tpu.memref_slice %arg9[%dma_start3A_197, %dma_start3A_198] : memref<640x16xf32, #tpu.memory_space<vmem>> -> memref<128x16xf32, #tpu.memory_space<vmem>>
      %dma_start3A_200 = arith.constant 0 : i32
      %dma_start3A_201 = tpu.memref_slice %arg7[%dma_start3A_196, %dma_start3A_200] : memref<5x128xi32, #tpu.memory_space<vmem>> -> memref<1x128xi32, #tpu.memory_space<vmem>>
      %dma_start3A_202 = tpu.memref_squeeze %dma_start3A_201 : memref<1x128xi32, #tpu.memory_space<vmem>> -> memref<128xi32, #tpu.memory_space<vmem>>
      %dma_start3A_203 = arith.constant 0 : i32
      %dma_start3A_204 = arith.constant 0 : i32
      %dma_start3A_205 = tpu.memref_slice %arg6[%dma_start3A_203, %dma_start3A_204] : memref<100000x16xf32, #tpu.memory_space<vmem_shared>> -> memref<100000x16xf32, #tpu.memory_space<vmem_shared>>
      tpu.enqueue_indirect_dma source(%dma_start3A_199 : memref<128x16xf32, #tpu.memory_space<vmem>>) target(%dma_start3A_205 : memref<100000x16xf32, #tpu.memory_space<vmem_shared>>) offsets(%dma_start3A_202 : memref<128xi32, #tpu.memory_space<vmem>>) semaphore(%arg15 : memref<!tpu.dma_semaphore, #tpu.memory_space<semaphore_mem>>) {add = true}
      %dma_start3A_206 = arith.constant 2 : i32
      %dma_start3A_207 = arith.constant 256 : i32
      %dma_start3A_208 = arith.constant 0 : i32
      %dma_start3A_209 = tpu.memref_slice %arg9[%dma_start3A_207, %dma_start3A_208] : memref<640x16xf32, #tpu.memory_space<vmem>> -> memref<128x16xf32, #tpu.memory_space<vmem>>
      %dma_start3A_210 = arith.constant 0 : i32
      %dma_start3A_211 = tpu.memref_slice %arg8[%dma_start3A_206, %dma_start3A_210] : memref<5x128xi32, #tpu.memory_space<vmem>> -> memref<1x128xi32, #tpu.memory_space<vmem>>
      %dma_start3A_212 = tpu.memref_squeeze %dma_start3A_211 : memref<1x128xi32, #tpu.memory_space<vmem>> -> memref<128xi32, #tpu.memory_space<vmem>>
      %dma_start3A_213 = arith.constant 0 : i32
      %dma_start3A_214 = arith.constant 0 : i32
      %dma_start3A_215 = tpu.memref_slice %arg6[%dma_start3A_213, %dma_start3A_214] : memref<100000x16xf32, #tpu.memory_space<vmem_shared>> -> memref<100000x16xf32, #tpu.memory_space<vmem_shared>>
      tpu.enqueue_indirect_dma source(%dma_start3A_209 : memref<128x16xf32, #tpu.memory_space<vmem>>) target(%dma_start3A_215 : memref<100000x16xf32, #tpu.memory_space<vmem_shared>>) offsets(%dma_start3A_212 : memref<128xi32, #tpu.memory_space<vmem>>) semaphore(%arg15 : memref<!tpu.dma_semaphore, #tpu.memory_space<semaphore_mem>>) {add = true}
      %dma_start3A_216 = arith.constant 2 : i32
      %dma_start3A_217 = arith.constant 256 : i32
      %dma_start3A_218 = arith.constant 0 : i32
      %dma_start3A_219 = tpu.memref_slice %arg9[%dma_start3A_217, %dma_start3A_218] : memref<640x16xf32, #tpu.memory_space<vmem>> -> memref<128x16xf32, #tpu.memory_space<vmem>>
      %dma_start3A_220 = arith.constant 0 : i32
      %dma_start3A_221 = tpu.memref_slice %arg7[%dma_start3A_216, %dma_start3A_220] : memref<5x128xi32, #tpu.memory_space<vmem>> -> memref<1x128xi32, #tpu.memory_space<vmem>>
      %dma_start3A_222 = tpu.memref_squeeze %dma_start3A_221 : memref<1x128xi32, #tpu.memory_space<vmem>> -> memref<128xi32, #tpu.memory_space<vmem>>
      %dma_start3A_223 = arith.constant 0 : i32
      %dma_start3A_224 = arith.constant 0 : i32
      %dma_start3A_225 = tpu.memref_slice %arg6[%dma_start3A_223, %dma_start3A_224] : memref<100000x16xf32, #tpu.memory_space<vmem_shared>> -> memref<100000x16xf32, #tpu.memory_space<vmem_shared>>
      tpu.enqueue_indirect_dma source(%dma_start3A_219 : memref<128x16xf32, #tpu.memory_space<vmem>>) target(%dma_start3A_225 : memref<100000x16xf32, #tpu.memory_space<vmem_shared>>) offsets(%dma_start3A_222 : memref<128xi32, #tpu.memory_space<vmem>>) semaphore(%arg15 : memref<!tpu.dma_semaphore, #tpu.memory_space<semaphore_mem>>) {add = true}
      %dma_start3A_226 = arith.constant 3 : i32
      %dma_start3A_227 = arith.constant 384 : i32
      %dma_start3A_228 = arith.constant 0 : i32
      %dma_start3A_229 = tpu.memref_slice %arg9[%dma_start3A_227, %dma_start3A_228] : memref<640x16xf32, #tpu.memory_space<vmem>> -> memref<128x16xf32, #tpu.memory_space<vmem>>
      %dma_start3A_230 = arith.constant 0 : i32
      %dma_start3A_231 = tpu.memref_slice %arg8[%dma_start3A_226, %dma_start3A_230] : memref<5x128xi32, #tpu.memory_space<vmem>> -> memref<1x128xi32, #tpu.memory_space<vmem>>
      %dma_start3A_232 = tpu.memref_squeeze %dma_start3A_231 : memref<1x128xi32, #tpu.memory_space<vmem>> -> memref<128xi32, #tpu.memory_space<vmem>>
      %dma_start3A_233 = arith.constant 0 : i32
      %dma_start3A_234 = arith.constant 0 : i32
      %dma_start3A_235 = tpu.memref_slice %arg6[%dma_start3A_233, %dma_start3A_234] : memref<100000x16xf32, #tpu.memory_space<vmem_shared>> -> memref<100000x16xf32, #tpu.memory_space<vmem_shared>>
      tpu.enqueue_indirect_dma source(%dma_start3A_229 : memref<128x16xf32, #tpu.memory_space<vmem>>) target(%dma_start3A_235 : memref<100000x16xf32, #tpu.memory_space<vmem_shared>>) offsets(%dma_start3A_232 : memref<128xi32, #tpu.memory_space<vmem>>) semaphore(%arg15 : memref<!tpu.dma_semaphore, #tpu.memory_space<semaphore_mem>>) {add = true}
      %dma_start3A_236 = arith.constant 3 : i32
      %dma_start3A_237 = arith.constant 384 : i32
      %dma_start3A_238 = arith.constant 0 : i32
      %dma_start3A_239 = tpu.memref_slice %arg9[%dma_start3A_237, %dma_start3A_238] : memref<640x16xf32, #tpu.memory_space<vmem>> -> memref<128x16xf32, #tpu.memory_space<vmem>>
      %dma_start3A_240 = arith.constant 0 : i32
      %dma_start3A_241 = tpu.memref_slice %arg7[%dma_start3A_236, %dma_start3A_240] : memref<5x128xi32, #tpu.memory_space<vmem>> -> memref<1x128xi32, #tpu.memory_space<vmem>>
      %dma_start3A_242 = tpu.memref_squeeze %dma_start3A_241 : memref<1x128xi32, #tpu.memory_space<vmem>> -> memref<128xi32, #tpu.memory_space<vmem>>
      %dma_start3A_243 = arith.constant 0 : i32
      %dma_start3A_244 = arith.constant 0 : i32
      %dma_start3A_245 = tpu.memref_slice %arg6[%dma_start3A_243, %dma_start3A_244] : memref<100000x16xf32, #tpu.memory_space<vmem_shared>> -> memref<100000x16xf32, #tpu.memory_space<vmem_shared>>
      tpu.enqueue_indirect_dma source(%dma_start3A_239 : memref<128x16xf32, #tpu.memory_space<vmem>>) target(%dma_start3A_245 : memref<100000x16xf32, #tpu.memory_space<vmem_shared>>) offsets(%dma_start3A_242 : memref<128xi32, #tpu.memory_space<vmem>>) semaphore(%arg15 : memref<!tpu.dma_semaphore, #tpu.memory_space<semaphore_mem>>) {add = true}
      %dma_start3A_246 = arith.constant 4 : i32
      %dma_start3A_247 = arith.constant 512 : i32
      %dma_start3A_248 = arith.constant 0 : i32
      %dma_start3A_249 = tpu.memref_slice %arg9[%dma_start3A_247, %dma_start3A_248] : memref<640x16xf32, #tpu.memory_space<vmem>> -> memref<128x16xf32, #tpu.memory_space<vmem>>
      %dma_start3A_250 = arith.constant 0 : i32
      %dma_start3A_251 = tpu.memref_slice %arg8[%dma_start3A_246, %dma_start3A_250] : memref<5x128xi32, #tpu.memory_space<vmem>> -> memref<1x128xi32, #tpu.memory_space<vmem>>
      %dma_start3A_252 = tpu.memref_squeeze %dma_start3A_251 : memref<1x128xi32, #tpu.memory_space<vmem>> -> memref<128xi32, #tpu.memory_space<vmem>>
      %dma_start3A_253 = arith.constant 0 : i32
      %dma_start3A_254 = arith.constant 0 : i32
      %dma_start3A_255 = tpu.memref_slice %arg6[%dma_start3A_253, %dma_start3A_254] : memref<100000x16xf32, #tpu.memory_space<vmem_shared>> -> memref<100000x16xf32, #tpu.memory_space<vmem_shared>>
      tpu.enqueue_indirect_dma source(%dma_start3A_249 : memref<128x16xf32, #tpu.memory_space<vmem>>) target(%dma_start3A_255 : memref<100000x16xf32, #tpu.memory_space<vmem_shared>>) offsets(%dma_start3A_252 : memref<128xi32, #tpu.memory_space<vmem>>) semaphore(%arg15 : memref<!tpu.dma_semaphore, #tpu.memory_space<semaphore_mem>>) {add = true}
      %dma_start3A_256 = arith.constant 4 : i32
      %dma_start3A_257 = arith.constant 512 : i32
      %dma_start3A_258 = arith.constant 0 : i32
      %dma_start3A_259 = tpu.memref_slice %arg9[%dma_start3A_257, %dma_start3A_258] : memref<640x16xf32, #tpu.memory_space<vmem>> -> memref<128x16xf32, #tpu.memory_space<vmem>>
      %dma_start3A_260 = arith.constant 0 : i32
      %dma_start3A_261 = tpu.memref_slice %arg7[%dma_start3A_256, %dma_start3A_260] : memref<5x128xi32, #tpu.memory_space<vmem>> -> memref<1x128xi32, #tpu.memory_space<vmem>>
      %dma_start3A_262 = tpu.memref_squeeze %dma_start3A_261 : memref<1x128xi32, #tpu.memory_space<vmem>> -> memref<128xi32, #tpu.memory_space<vmem>>
      %dma_start3A_263 = arith.constant 0 : i32
      %dma_start3A_264 = arith.constant 0 : i32
      %dma_start3A_265 = tpu.memref_slice %arg6[%dma_start3A_263, %dma_start3A_264] : memref<100000x16xf32, #tpu.memory_space<vmem_shared>> -> memref<100000x16xf32, #tpu.memory_space<vmem_shared>>
      tpu.enqueue_indirect_dma source(%dma_start3A_259 : memref<128x16xf32, #tpu.memory_space<vmem>>) target(%dma_start3A_265 : memref<100000x16xf32, #tpu.memory_space<vmem_shared>>) offsets(%dma_start3A_262 : memref<128xi32, #tpu.memory_space<vmem>>) semaphore(%arg15 : memref<!tpu.dma_semaphore, #tpu.memory_space<semaphore_mem>>) {add = true}
      %dma_wait3A_266 = arith.constant 0 : i32
      %dma_wait3A_267 = arith.constant 0 : i32
      %dma_wait3A_268 = tpu.memref_slice %arg2[%dma_wait3A_266, %dma_wait3A_267] : memref<3200000x16xf32, #tpu.memory_space<hbm>> -> memref<640x16xf32, #tpu.memory_space<hbm>>
      %dma_wait3A_269 = arith.constant 0 : i32
      %dma_wait3A_270 = arith.constant 0 : i32
      %dma_wait3A_271 = tpu.memref_slice %arg2[%dma_wait3A_269, %dma_wait3A_270] : memref<3200000x16xf32, #tpu.memory_space<hbm>> -> memref<640x16xf32, #tpu.memory_space<hbm>>
      tpu.wait_dma2 semaphore(%arg14 : memref<!tpu.dma_semaphore, #tpu.memory_space<semaphore_mem>>) src(%dma_wait3A_271 : memref<640x16xf32, #tpu.memory_space<hbm>>) dst(%arg12 : memref<640x16xf32, #tpu.memory_space<vmem>>)
      %dma_wait3A_272 = arith.constant 1 : i32
      %dma_wait3A_273 = arith.constant 0 : i32
      %dma_wait3A_274 = arith.constant 0 : i32
      %dma_wait3A_275 = tpu.memref_slice %arg3[%dma_wait3A_272, %dma_wait3A_273, %dma_wait3A_274] : memref<2x25000x128xi32, #tpu.memory_space<hbm>> -> memref<1x5x128xi32, #tpu.memory_space<hbm>>
      %dma_wait3A_276 = tpu.memref_squeeze %dma_wait3A_275 : memref<1x5x128xi32, #tpu.memory_space<hbm>> -> memref<5x128xi32, #tpu.memory_space<hbm>>
      %dma_wait3A_277 = arith.constant 0 : i32
      %dma_wait3A_278 = arith.constant 0 : i32
      %dma_wait3A_279 = tpu.memref_slice %arg3[%dma_wait3A_272, %dma_wait3A_277, %dma_wait3A_278] : memref<2x25000x128xi32, #tpu.memory_space<hbm>> -> memref<1x5x128xi32, #tpu.memory_space<hbm>>
      %dma_wait3A_280 = tpu.memref_squeeze %dma_wait3A_279 : memref<1x5x128xi32, #tpu.memory_space<hbm>> -> memref<5x128xi32, #tpu.memory_space<hbm>>
      tpu.wait_dma2 semaphore(%arg14 : memref<!tpu.dma_semaphore, #tpu.memory_space<semaphore_mem>>) src(%dma_wait3A_280 : memref<5x128xi32, #tpu.memory_space<hbm>>) dst(%arg11 : memref<5x128xi32, #tpu.memory_space<vmem>>)
      %dma_wait3A_281 = arith.constant 0 : i32
      %dma_wait3A_282 = arith.constant 0 : i32
      %dma_wait3A_283 = arith.constant 0 : i32
      %dma_wait3A_284 = tpu.memref_slice %arg3[%dma_wait3A_281, %dma_wait3A_282, %dma_wait3A_283] : memref<2x25000x128xi32, #tpu.memory_space<hbm>> -> memref<1x5x128xi32, #tpu.memory_space<hbm>>
      %dma_wait3A_285 = tpu.memref_squeeze %dma_wait3A_284 : memref<1x5x128xi32, #tpu.memory_space<hbm>> -> memref<5x128xi32, #tpu.memory_space<hbm>>
      %dma_wait3A_286 = arith.constant 0 : i32
      %dma_wait3A_287 = arith.constant 0 : i32
      %dma_wait3A_288 = tpu.memref_slice %arg3[%dma_wait3A_281, %dma_wait3A_286, %dma_wait3A_287] : memref<2x25000x128xi32, #tpu.memory_space<hbm>> -> memref<1x5x128xi32, #tpu.memory_space<hbm>>
      %dma_wait3A_289 = tpu.memref_squeeze %dma_wait3A_288 : memref<1x5x128xi32, #tpu.memory_space<hbm>> -> memref<5x128xi32, #tpu.memory_space<hbm>>
      tpu.wait_dma2 semaphore(%arg14 : memref<!tpu.dma_semaphore, #tpu.memory_space<semaphore_mem>>) src(%dma_wait3A_289 : memref<5x128xi32, #tpu.memory_space<hbm>>) dst(%arg10 : memref<5x128xi32, #tpu.memory_space<vmem>>)
      %dma_start3A_290 = arith.constant 0 : i32
      %dma_start3A_291 = arith.constant 0 : i32
      %dma_start3A_292 = arith.constant 0 : i32
      %dma_start3A_293 = tpu.memref_slice %arg12[%dma_start3A_291, %dma_start3A_292] : memref<640x16xf32, #tpu.memory_space<vmem>> -> memref<128x16xf32, #tpu.memory_space<vmem>>
      %dma_start3A_294 = arith.constant 0 : i32
      %dma_start3A_295 = tpu.memref_slice %arg11[%dma_start3A_290, %dma_start3A_294] : memref<5x128xi32, #tpu.memory_space<vmem>> -> memref<1x128xi32, #tpu.memory_space<vmem>>
      %dma_start3A_296 = tpu.memref_squeeze %dma_start3A_295 : memref<1x128xi32, #tpu.memory_space<vmem>> -> memref<128xi32, #tpu.memory_space<vmem>>
      %dma_start3A_297 = arith.constant 0 : i32
      %dma_start3A_298 = arith.constant 0 : i32
      %dma_start3A_299 = tpu.memref_slice %arg6[%dma_start3A_297, %dma_start3A_298] : memref<100000x16xf32, #tpu.memory_space<vmem_shared>> -> memref<100000x16xf32, #tpu.memory_space<vmem_shared>>
      tpu.enqueue_indirect_dma source(%dma_start3A_293 : memref<128x16xf32, #tpu.memory_space<vmem>>) target(%dma_start3A_299 : memref<100000x16xf32, #tpu.memory_space<vmem_shared>>) offsets(%dma_start3A_296 : memref<128xi32, #tpu.memory_space<vmem>>) semaphore(%arg16 : memref<!tpu.dma_semaphore, #tpu.memory_space<semaphore_mem>>) {add = true}
      %dma_start3A_300 = arith.constant 0 : i32
      %dma_start3A_301 = arith.constant 0 : i32
      %dma_start3A_302 = arith.constant 0 : i32
      %dma_start3A_303 = tpu.memref_slice %arg12[%dma_start3A_301, %dma_start3A_302] : memref<640x16xf32, #tpu.memory_space<vmem>> -> memref<128x16xf32, #tpu.memory_space<vmem>>
      %dma_start3A_304 = arith.constant 0 : i32
      %dma_start3A_305 = tpu.memref_slice %arg10[%dma_start3A_300, %dma_start3A_304] : memref<5x128xi32, #tpu.memory_space<vmem>> -> memref<1x128xi32, #tpu.memory_space<vmem>>
      %dma_start3A_306 = tpu.memref_squeeze %dma_start3A_305 : memref<1x128xi32, #tpu.memory_space<vmem>> -> memref<128xi32, #tpu.memory_space<vmem>>
      %dma_start3A_307 = arith.constant 0 : i32
      %dma_start3A_308 = arith.constant 0 : i32
      %dma_start3A_309 = tpu.memref_slice %arg6[%dma_start3A_307, %dma_start3A_308] : memref<100000x16xf32, #tpu.memory_space<vmem_shared>> -> memref<100000x16xf32, #tpu.memory_space<vmem_shared>>
      tpu.enqueue_indirect_dma source(%dma_start3A_303 : memref<128x16xf32, #tpu.memory_space<vmem>>) target(%dma_start3A_309 : memref<100000x16xf32, #tpu.memory_space<vmem_shared>>) offsets(%dma_start3A_306 : memref<128xi32, #tpu.memory_space<vmem>>) semaphore(%arg16 : memref<!tpu.dma_semaphore, #tpu.memory_space<semaphore_mem>>) {add = true}
      %dma_start3A_310 = arith.constant 1 : i32
      %dma_start3A_311 = arith.constant 128 : i32
      %dma_start3A_312 = arith.constant 0 : i32
      %dma_start3A_313 = tpu.memref_slice %arg12[%dma_start3A_311, %dma_start3A_312] : memref<640x16xf32, #tpu.memory_space<vmem>> -> memref<128x16xf32, #tpu.memory_space<vmem>>
      %dma_start3A_314 = arith.constant 0 : i32
      %dma_start3A_315 = tpu.memref_slice %arg11[%dma_start3A_310, %dma_start3A_314] : memref<5x128xi32, #tpu.memory_space<vmem>> -> memref<1x128xi32, #tpu.memory_space<vmem>>
      %dma_start3A_316 = tpu.memref_squeeze %dma_start3A_315 : memref<1x128xi32, #tpu.memory_space<vmem>> -> memref<128xi32, #tpu.memory_space<vmem>>
      %dma_start3A_317 = arith.constant 0 : i32
      %dma_start3A_318 = arith.constant 0 : i32
      %dma_start3A_319 = tpu.memref_slice %arg6[%dma_start3A_317, %dma_start3A_318] : memref<100000x16xf32, #tpu.memory_space<vmem_shared>> -> memref<100000x16xf32, #tpu.memory_space<vmem_shared>>
      tpu.enqueue_indirect_dma source(%dma_start3A_313 : memref<128x16xf32, #tpu.memory_space<vmem>>) target(%dma_start3A_319 : memref<100000x16xf32, #tpu.memory_space<vmem_shared>>) offsets(%dma_start3A_316 : memref<128xi32, #tpu.memory_space<vmem>>) semaphore(%arg16 : memref<!tpu.dma_semaphore, #tpu.memory_space<semaphore_mem>>) {add = true}
      %dma_start3A_320 = arith.constant 1 : i32
      %dma_start3A_321 = arith.constant 128 : i32
      %dma_start3A_322 = arith.constant 0 : i32
      %dma_start3A_323 = tpu.memref_slice %arg12[%dma_start3A_321, %dma_start3A_322] : memref<640x16xf32, #tpu.memory_space<vmem>> -> memref<128x16xf32, #tpu.memory_space<vmem>>
      %dma_start3A_324 = arith.constant 0 : i32
      %dma_start3A_325 = tpu.memref_slice %arg10[%dma_start3A_320, %dma_start3A_324] : memref<5x128xi32, #tpu.memory_space<vmem>> -> memref<1x128xi32, #tpu.memory_space<vmem>>
      %dma_start3A_326 = tpu.memref_squeeze %dma_start3A_325 : memref<1x128xi32, #tpu.memory_space<vmem>> -> memref<128xi32, #tpu.memory_space<vmem>>
      %dma_start3A_327 = arith.constant 0 : i32
      %dma_start3A_328 = arith.constant 0 : i32
      %dma_start3A_329 = tpu.memref_slice %arg6[%dma_start3A_327, %dma_start3A_328] : memref<100000x16xf32, #tpu.memory_space<vmem_shared>> -> memref<100000x16xf32, #tpu.memory_space<vmem_shared>>
      tpu.enqueue_indirect_dma source(%dma_start3A_323 : memref<128x16xf32, #tpu.memory_space<vmem>>) target(%dma_start3A_329 : memref<100000x16xf32, #tpu.memory_space<vmem_shared>>) offsets(%dma_start3A_326 : memref<128xi32, #tpu.memory_space<vmem>>) semaphore(%arg16 : memref<!tpu.dma_semaphore, #tpu.memory_space<semaphore_mem>>) {add = true}
      %dma_start3A_330 = arith.constant 2 : i32
      %dma_start3A_331 = arith.constant 256 : i32
      %dma_start3A_332 = arith.constant 0 : i32
      %dma_start3A_333 = tpu.memref_slice %arg12[%dma_start3A_331, %dma_start3A_332] : memref<640x16xf32, #tpu.memory_space<vmem>> -> memref<128x16xf32, #tpu.memory_space<vmem>>
      %dma_start3A_334 = arith.constant 0 : i32
      %dma_start3A_335 = tpu.memref_slice %arg11[%dma_start3A_330, %dma_start3A_334] : memref<5x128xi32, #tpu.memory_space<vmem>> -> memref<1x128xi32, #tpu.memory_space<vmem>>
      %dma_start3A_336 = tpu.memref_squeeze %dma_start3A_335 : memref<1x128xi32, #tpu.memory_space<vmem>> -> memref<128xi32, #tpu.memory_space<vmem>>
      %dma_start3A_337 = arith.constant 0 : i32
      %dma_start3A_338 = arith.constant 0 : i32
      %dma_start3A_339 = tpu.memref_slice %arg6[%dma_start3A_337, %dma_start3A_338] : memref<100000x16xf32, #tpu.memory_space<vmem_shared>> -> memref<100000x16xf32, #tpu.memory_space<vmem_shared>>
      tpu.enqueue_indirect_dma source(%dma_start3A_333 : memref<128x16xf32, #tpu.memory_space<vmem>>) target(%dma_start3A_339 : memref<100000x16xf32, #tpu.memory_space<vmem_shared>>) offsets(%dma_start3A_336 : memref<128xi32, #tpu.memory_space<vmem>>) semaphore(%arg16 : memref<!tpu.dma_semaphore, #tpu.memory_space<semaphore_mem>>) {add = true}
      %dma_start3A_340 = arith.constant 2 : i32
      %dma_start3A_341 = arith.constant 256 : i32
      %dma_start3A_342 = arith.constant 0 : i32
      %dma_start3A_343 = tpu.memref_slice %arg12[%dma_start3A_341, %dma_start3A_342] : memref<640x16xf32, #tpu.memory_space<vmem>> -> memref<128x16xf32, #tpu.memory_space<vmem>>
      %dma_start3A_344 = arith.constant 0 : i32
      %dma_start3A_345 = tpu.memref_slice %arg10[%dma_start3A_340, %dma_start3A_344] : memref<5x128xi32, #tpu.memory_space<vmem>> -> memref<1x128xi32, #tpu.memory_space<vmem>>
      %dma_start3A_346 = tpu.memref_squeeze %dma_start3A_345 : memref<1x128xi32, #tpu.memory_space<vmem>> -> memref<128xi32, #tpu.memory_space<vmem>>
      %dma_start3A_347 = arith.constant 0 : i32
      %dma_start3A_348 = arith.constant 0 : i32
      %dma_start3A_349 = tpu.memref_slice %arg6[%dma_start3A_347, %dma_start3A_348] : memref<100000x16xf32, #tpu.memory_space<vmem_shared>> -> memref<100000x16xf32, #tpu.memory_space<vmem_shared>>
      tpu.enqueue_indirect_dma source(%dma_start3A_343 : memref<128x16xf32, #tpu.memory_space<vmem>>) target(%dma_start3A_349 : memref<100000x16xf32, #tpu.memory_space<vmem_shared>>) offsets(%dma_start3A_346 : memref<128xi32, #tpu.memory_space<vmem>>) semaphore(%arg16 : memref<!tpu.dma_semaphore, #tpu.memory_space<semaphore_mem>>) {add = true}
      %dma_start3A_350 = arith.constant 3 : i32
      %dma_start3A_351 = arith.constant 384 : i32
      %dma_start3A_352 = arith.constant 0 : i32
      %dma_start3A_353 = tpu.memref_slice %arg12[%dma_start3A_351, %dma_start3A_352] : memref<640x16xf32, #tpu.memory_space<vmem>> -> memref<128x16xf32, #tpu.memory_space<vmem>>
      %dma_start3A_354 = arith.constant 0 : i32
      %dma_start3A_355 = tpu.memref_slice %arg11[%dma_start3A_350, %dma_start3A_354] : memref<5x128xi32, #tpu.memory_space<vmem>> -> memref<1x128xi32, #tpu.memory_space<vmem>>
      %dma_start3A_356 = tpu.memref_squeeze %dma_start3A_355 : memref<1x128xi32, #tpu.memory_space<vmem>> -> memref<128xi32, #tpu.memory_space<vmem>>
      %dma_start3A_357 = arith.constant 0 : i32
      %dma_start3A_358 = arith.constant 0 : i32
      %dma_start3A_359 = tpu.memref_slice %arg6[%dma_start3A_357, %dma_start3A_358] : memref<100000x16xf32, #tpu.memory_space<vmem_shared>> -> memref<100000x16xf32, #tpu.memory_space<vmem_shared>>
      tpu.enqueue_indirect_dma source(%dma_start3A_353 : memref<128x16xf32, #tpu.memory_space<vmem>>) target(%dma_start3A_359 : memref<100000x16xf32, #tpu.memory_space<vmem_shared>>) offsets(%dma_start3A_356 : memref<128xi32, #tpu.memory_space<vmem>>) semaphore(%arg16 : memref<!tpu.dma_semaphore, #tpu.memory_space<semaphore_mem>>) {add = true}
      %dma_start3A_360 = arith.constant 3 : i32
      %dma_start3A_361 = arith.constant 384 : i32
      %dma_start3A_362 = arith.constant 0 : i32
      %dma_start3A_363 = tpu.memref_slice %arg12[%dma_start3A_361, %dma_start3A_362] : memref<640x16xf32, #tpu.memory_space<vmem>> -> memref<128x16xf32, #tpu.memory_space<vmem>>
      %dma_start3A_364 = arith.constant 0 : i32
      %dma_start3A_365 = tpu.memref_slice %arg10[%dma_start3A_360, %dma_start3A_364] : memref<5x128xi32, #tpu.memory_space<vmem>> -> memref<1x128xi32, #tpu.memory_space<vmem>>
      %dma_start3A_366 = tpu.memref_squeeze %dma_start3A_365 : memref<1x128xi32, #tpu.memory_space<vmem>> -> memref<128xi32, #tpu.memory_space<vmem>>
      %dma_start3A_367 = arith.constant 0 : i32
      %dma_start3A_368 = arith.constant 0 : i32
      %dma_start3A_369 = tpu.memref_slice %arg6[%dma_start3A_367, %dma_start3A_368] : memref<100000x16xf32, #tpu.memory_space<vmem_shared>> -> memref<100000x16xf32, #tpu.memory_space<vmem_shared>>
      tpu.enqueue_indirect_dma source(%dma_start3A_363 : memref<128x16xf32, #tpu.memory_space<vmem>>) target(%dma_start3A_369 : memref<100000x16xf32, #tpu.memory_space<vmem_shared>>) offsets(%dma_start3A_366 : memref<128xi32, #tpu.memory_space<vmem>>) semaphore(%arg16 : memref<!tpu.dma_semaphore, #tpu.memory_space<semaphore_mem>>) {add = true}
      %dma_start3A_370 = arith.constant 4 : i32
      %dma_start3A_371 = arith.constant 512 : i32
      %dma_start3A_372 = arith.constant 0 : i32
      %dma_start3A_373 = tpu.memref_slice %arg12[%dma_start3A_371, %dma_start3A_372] : memref<640x16xf32, #tpu.memory_space<vmem>> -> memref<128x16xf32, #tpu.memory_space<vmem>>
      %dma_start3A_374 = arith.constant 0 : i32
      %dma_start3A_375 = tpu.memref_slice %arg11[%dma_start3A_370, %dma_start3A_374] : memref<5x128xi32, #tpu.memory_space<vmem>> -> memref<1x128xi32, #tpu.memory_space<vmem>>
      %dma_start3A_376 = tpu.memref_squeeze %dma_start3A_375 : memref<1x128xi32, #tpu.memory_space<vmem>> -> memref<128xi32, #tpu.memory_space<vmem>>
      %dma_start3A_377 = arith.constant 0 : i32
      %dma_start3A_378 = arith.constant 0 : i32
      %dma_start3A_379 = tpu.memref_slice %arg6[%dma_start3A_377, %dma_start3A_378] : memref<100000x16xf32, #tpu.memory_space<vmem_shared>> -> memref<100000x16xf32, #tpu.memory_space<vmem_shared>>
      tpu.enqueue_indirect_dma source(%dma_start3A_373 : memref<128x16xf32, #tpu.memory_space<vmem>>) target(%dma_start3A_379 : memref<100000x16xf32, #tpu.memory_space<vmem_shared>>) offsets(%dma_start3A_376 : memref<128xi32, #tpu.memory_space<vmem>>) semaphore(%arg16 : memref<!tpu.dma_semaphore, #tpu.memory_space<semaphore_mem>>) {add = true}
      %dma_start3A_380 = arith.constant 4 : i32
      %dma_start3A_381 = arith.constant 512 : i32
      %dma_start3A_382 = arith.constant 0 : i32
      %dma_start3A_383 = tpu.memref_slice %arg12[%dma_start3A_381, %dma_start3A_382] : memref<640x16xf32, #tpu.memory_space<vmem>> -> memref<128x16xf32, #tpu.memory_space<vmem>>
      %dma_start3A_384 = arith.constant 0 : i32
      %dma_start3A_385 = tpu.memref_slice %arg10[%dma_start3A_380, %dma_start3A_384] : memref<5x128xi32, #tpu.memory_space<vmem>> -> memref<1x128xi32, #tpu.memory_space<vmem>>
      %dma_start3A_386 = tpu.memref_squeeze %dma_start3A_385 : memref<1x128xi32, #tpu.memory_space<vmem>> -> memref<128xi32, #tpu.memory_space<vmem>>
      %dma_start3A_387 = arith.constant 0 : i32
      %dma_start3A_388 = arith.constant 0 : i32
      %dma_start3A_389 = tpu.memref_slice %arg6[%dma_start3A_387, %dma_start3A_388] : memref<100000x16xf32, #tpu.memory_space<vmem_shared>> -> memref<100000x16xf32, #tpu.memory_space<vmem_shared>>
      tpu.enqueue_indirect_dma source(%dma_start3A_383 : memref<128x16xf32, #tpu.memory_space<vmem>>) target(%dma_start3A_389 : memref<100000x16xf32, #tpu.memory_space<vmem_shared>>) offsets(%dma_start3A_386 : memref<128xi32, #tpu.memory_space<vmem>>) semaphore(%arg16 : memref<!tpu.dma_semaphore, #tpu.memory_space<semaphore_mem>>) {add = true}
      %dma_wait3A_390 = arith.constant 0 : i32
      %dma_wait3A_391 = arith.constant 0 : i32
      %dma_wait3A_392 = tpu.memref_slice %arg4[%dma_wait3A_390, %dma_wait3A_391] : memref<100000x16xf32, #tpu.memory_space<hbm>> -> memref<640x16xf32, #tpu.memory_space<hbm>>
      %dma_wait3A_393 = arith.constant 0 : i32
      %dma_wait3A_394 = arith.constant 0 : i32
      %dma_wait3A_395 = tpu.memref_slice %arg4[%dma_wait3A_393, %dma_wait3A_394] : memref<100000x16xf32, #tpu.memory_space<hbm>> -> memref<640x16xf32, #tpu.memory_space<hbm>>
      tpu.wait_dma2 semaphore(%arg15 : memref<!tpu.dma_semaphore, #tpu.memory_space<semaphore_mem>>) src(%dma_wait3A_395 : memref<640x16xf32, #tpu.memory_space<hbm>>) dst(%arg9 : memref<640x16xf32, #tpu.memory_space<vmem>>)
      %dma_wait3A_396 = arith.constant 0 : i32
      %dma_wait3A_397 = arith.constant 0 : i32
      %dma_wait3A_398 = tpu.memref_slice %arg4[%dma_wait3A_396, %dma_wait3A_397] : memref<100000x16xf32, #tpu.memory_space<hbm>> -> memref<640x16xf32, #tpu.memory_space<hbm>>
      %dma_wait3A_399 = arith.constant 0 : i32
      %dma_wait3A_400 = arith.constant 0 : i32
      %dma_wait3A_401 = tpu.memref_slice %arg4[%dma_wait3A_399, %dma_wait3A_400] : memref<100000x16xf32, #tpu.memory_space<hbm>> -> memref<640x16xf32, #tpu.memory_space<hbm>>
      tpu.wait_dma2 semaphore(%arg15 : memref<!tpu.dma_semaphore, #tpu.memory_space<semaphore_mem>>) src(%dma_wait3A_401 : memref<640x16xf32, #tpu.memory_space<hbm>>) dst(%arg9 : memref<640x16xf32, #tpu.memory_space<vmem>>)
      %add3A_402 = arith.constant 2 : i32
      %add3A_403 = arith.addi %add3A_115, %add3A_402 : i32
      %add3A_404 = arith.addi %add3A_4, %add3A_8 : i32
      %sub3A_405 = arith.constant 1 : i32
      %sub3A_406 = arith.subi %add3A_404, %sub3A_405 : i32
      %min3A_407 = arith.minsi %add3A_403, %sub3A_406 : i32
      %mul3A_408 = arith.constant 640 : i32
      %mul3A_409 = arith.muli %min3A_407, %mul3A_408 : i32
      %dma_start3A_410 = arith.constant 0 : i32
      %dma_start3A_411 = tpu.memref_slice %arg2[%mul3A_409, %dma_start3A_410] : memref<3200000x16xf32, #tpu.memory_space<hbm>> -> memref<640x16xf32, #tpu.memory_space<hbm>>
      %dma_start3A_412 = arith.constant 0 : i32
      %dma_start3A_413 = tpu.memref_slice %arg2[%mul3A_409, %dma_start3A_412] : memref<3200000x16xf32, #tpu.memory_space<hbm>> -> memref<640x16xf32, #tpu.memory_space<hbm>>
      tpu.enqueue_dma source(%dma_start3A_413 : memref<640x16xf32, #tpu.memory_space<hbm>>) target(%arg9 : memref<640x16xf32, #tpu.memory_space<vmem>>) target_semaphore(%arg13 : memref<!tpu.dma_semaphore, #tpu.memory_space<semaphore_mem>>)
      %mul3A_414 = arith.constant 5 : i32
      %mul3A_415 = arith.muli %min3A_407, %mul3A_414 : i32
      %dma_start3A_416 = arith.constant 1 : i32
      %dma_start3A_417 = arith.constant 0 : i32
      %dma_start3A_418 = tpu.memref_slice %arg3[%dma_start3A_416, %mul3A_415, %dma_start3A_417] : memref<2x25000x128xi32, #tpu.memory_space<hbm>> -> memref<1x5x128xi32, #tpu.memory_space<hbm>>
      %dma_start3A_419 = tpu.memref_squeeze %dma_start3A_418 : memref<1x5x128xi32, #tpu.memory_space<hbm>> -> memref<5x128xi32, #tpu.memory_space<hbm>>
      %dma_start3A_420 = arith.constant 0 : i32
      %dma_start3A_421 = tpu.memref_slice %arg3[%dma_start3A_416, %mul3A_415, %dma_start3A_420] : memref<2x25000x128xi32, #tpu.memory_space<hbm>> -> memref<1x5x128xi32, #tpu.memory_space<hbm>>
      %dma_start3A_422 = tpu.memref_squeeze %dma_start3A_421 : memref<1x5x128xi32, #tpu.memory_space<hbm>> -> memref<5x128xi32, #tpu.memory_space<hbm>>
      tpu.enqueue_dma source(%dma_start3A_422 : memref<5x128xi32, #tpu.memory_space<hbm>>) target(%arg8 : memref<5x128xi32, #tpu.memory_space<vmem>>) target_semaphore(%arg13 : memref<!tpu.dma_semaphore, #tpu.memory_space<semaphore_mem>>)
      %mul3A_423 = arith.constant 5 : i32
      %mul3A_424 = arith.muli %min3A_407, %mul3A_423 : i32
      %dma_start3A_425 = arith.constant 0 : i32
      %dma_start3A_426 = arith.constant 0 : i32
      %dma_start3A_427 = tpu.memref_slice %arg3[%dma_start3A_425, %mul3A_424, %dma_start3A_426] : memref<2x25000x128xi32, #tpu.memory_space<hbm>> -> memref<1x5x128xi32, #tpu.memory_space<hbm>>
      %dma_start3A_428 = tpu.memref_squeeze %dma_start3A_427 : memref<1x5x128xi32, #tpu.memory_space<hbm>> -> memref<5x128xi32, #tpu.memory_space<hbm>>
      %dma_start3A_429 = arith.constant 0 : i32
      %dma_start3A_430 = tpu.memref_slice %arg3[%dma_start3A_425, %mul3A_424, %dma_start3A_429] : memref<2x25000x128xi32, #tpu.memory_space<hbm>> -> memref<1x5x128xi32, #tpu.memory_space<hbm>>
      %dma_start3A_431 = tpu.memref_squeeze %dma_start3A_430 : memref<1x5x128xi32, #tpu.memory_space<hbm>> -> memref<5x128xi32, #tpu.memory_space<hbm>>
      tpu.enqueue_dma source(%dma_start3A_431 : memref<5x128xi32, #tpu.memory_space<hbm>>) target(%arg7 : memref<5x128xi32, #tpu.memory_space<vmem>>) target_semaphore(%arg13 : memref<!tpu.dma_semaphore, #tpu.memory_space<semaphore_mem>>)
      %dma_wait3A_432 = arith.constant 0 : i32
      %dma_wait3A_433 = arith.constant 0 : i32
      %dma_wait3A_434 = tpu.memref_slice %arg4[%dma_wait3A_432, %dma_wait3A_433] : memref<100000x16xf32, #tpu.memory_space<hbm>> -> memref<640x16xf32, #tpu.memory_space<hbm>>
      %dma_wait3A_435 = arith.constant 0 : i32
      %dma_wait3A_436 = arith.constant 0 : i32
      %dma_wait3A_437 = tpu.memref_slice %arg4[%dma_wait3A_435, %dma_wait3A_436] : memref<100000x16xf32, #tpu.memory_space<hbm>> -> memref<640x16xf32, #tpu.memory_space<hbm>>
      tpu.wait_dma2 semaphore(%arg16 : memref<!tpu.dma_semaphore, #tpu.memory_space<semaphore_mem>>) src(%dma_wait3A_437 : memref<640x16xf32, #tpu.memory_space<hbm>>) dst(%arg12 : memref<640x16xf32, #tpu.memory_space<vmem>>)
      %dma_wait3A_438 = arith.constant 0 : i32
      %dma_wait3A_439 = arith.constant 0 : i32
      %dma_wait3A_440 = tpu.memref_slice %arg4[%dma_wait3A_438, %dma_wait3A_439] : memref<100000x16xf32, #tpu.memory_space<hbm>> -> memref<640x16xf32, #tpu.memory_space<hbm>>
      %dma_wait3A_441 = arith.constant 0 : i32
      %dma_wait3A_442 = arith.constant 0 : i32
      %dma_wait3A_443 = tpu.memref_slice %arg4[%dma_wait3A_441, %dma_wait3A_442] : memref<100000x16xf32, #tpu.memory_space<hbm>> -> memref<640x16xf32, #tpu.memory_space<hbm>>
      tpu.wait_dma2 semaphore(%arg16 : memref<!tpu.dma_semaphore, #tpu.memory_space<semaphore_mem>>) src(%dma_wait3A_443 : memref<640x16xf32, #tpu.memory_space<hbm>>) dst(%arg12 : memref<640x16xf32, #tpu.memory_space<vmem>>)
    }
    %dma_wait3A = arith.constant 0 : i32
    %dma_wait3A_62 = arith.constant 0 : i32
    %dma_wait3A_63 = tpu.memref_slice %arg2[%dma_wait3A, %dma_wait3A_62] : memref<3200000x16xf32, #tpu.memory_space<hbm>> -> memref<640x16xf32, #tpu.memory_space<hbm>>
    %dma_wait3A_64 = arith.constant 0 : i32
    %dma_wait3A_65 = arith.constant 0 : i32
    %dma_wait3A_66 = tpu.memref_slice %arg2[%dma_wait3A_64, %dma_wait3A_65] : memref<3200000x16xf32, #tpu.memory_space<hbm>> -> memref<640x16xf32, #tpu.memory_space<hbm>>
    tpu.wait_dma2 semaphore(%arg13 : memref<!tpu.dma_semaphore, #tpu.memory_space<semaphore_mem>>) src(%dma_wait3A_66 : memref<640x16xf32, #tpu.memory_space<hbm>>) dst(%arg9 : memref<640x16xf32, #tpu.memory_space<vmem>>)
    %dma_wait3A_67 = arith.constant 1 : i32
    %dma_wait3A_68 = arith.constant 0 : i32
    %dma_wait3A_69 = arith.constant 0 : i32
    %dma_wait3A_70 = tpu.memref_slice %arg3[%dma_wait3A_67, %dma_wait3A_68, %dma_wait3A_69] : memref<2x25000x128xi32, #tpu.memory_space<hbm>> -> memref<1x5x128xi32, #tpu.memory_space<hbm>>
    %dma_wait3A_71 = tpu.memref_squeeze %dma_wait3A_70 : memref<1x5x128xi32, #tpu.memory_space<hbm>> -> memref<5x128xi32, #tpu.memory_space<hbm>>
    %dma_wait3A_72 = arith.constant 0 : i32
    %dma_wait3A_73 = arith.constant 0 : i32
    %dma_wait3A_74 = tpu.memref_slice %arg3[%dma_wait3A_67, %dma_wait3A_72, %dma_wait3A_73] : memref<2x25000x128xi32, #tpu.memory_space<hbm>> -> memref<1x5x128xi32, #tpu.memory_space<hbm>>
    %dma_wait3A_75 = tpu.memref_squeeze %dma_wait3A_74 : memref<1x5x128xi32, #tpu.memory_space<hbm>> -> memref<5x128xi32, #tpu.memory_space<hbm>>
    tpu.wait_dma2 semaphore(%arg13 : memref<!tpu.dma_semaphore, #tpu.memory_space<semaphore_mem>>) src(%dma_wait3A_75 : memref<5x128xi32, #tpu.memory_space<hbm>>) dst(%arg8 : memref<5x128xi32, #tpu.memory_space<vmem>>)
    %dma_wait3A_76 = arith.constant 0 : i32
    %dma_wait3A_77 = arith.constant 0 : i32
    %dma_wait3A_78 = arith.constant 0 : i32
    %dma_wait3A_79 = tpu.memref_slice %arg3[%dma_wait3A_76, %dma_wait3A_77, %dma_wait3A_78] : memref<2x25000x128xi32, #tpu.memory_space<hbm>> -> memref<1x5x128xi32, #tpu.memory_space<hbm>>
    %dma_wait3A_80 = tpu.memref_squeeze %dma_wait3A_79 : memref<1x5x128xi32, #tpu.memory_space<hbm>> -> memref<5x128xi32, #tpu.memory_space<hbm>>
    %dma_wait3A_81 = arith.constant 0 : i32
    %dma_wait3A_82 = arith.constant 0 : i32
    %dma_wait3A_83 = tpu.memref_slice %arg3[%dma_wait3A_76, %dma_wait3A_81, %dma_wait3A_82] : memref<2x25000x128xi32, #tpu.memory_space<hbm>> -> memref<1x5x128xi32, #tpu.memory_space<hbm>>
    %dma_wait3A_84 = tpu.memref_squeeze %dma_wait3A_83 : memref<1x5x128xi32, #tpu.memory_space<hbm>> -> memref<5x128xi32, #tpu.memory_space<hbm>>
    tpu.wait_dma2 semaphore(%arg13 : memref<!tpu.dma_semaphore, #tpu.memory_space<semaphore_mem>>) src(%dma_wait3A_84 : memref<5x128xi32, #tpu.memory_space<hbm>>) dst(%arg7 : memref<5x128xi32, #tpu.memory_space<vmem>>)
    %jit3A_85 = arith.constant 2 : i32
    %eq3A_86 = arith.constant 0 : i32
    %eq3A_87 = arith.cmpi eq, %jit3A_85, %eq3A_86 : i32
    %jit3A_88 = arith.constant 1 : i32
    %select_n3A_89 = arith.select %eq3A_87, %jit3A_88, %jit3A_85 : i32
    %rem3A_90 = arith.remsi %add3A_8, %select_n3A_89 : i32
    %ne3A_91 = arith.constant 0 : i32
    %ne3A_92 = arith.cmpi ne, %rem3A_90, %ne3A_91 : i32
    %lt3A_93 = arith.constant 0 : i32
    %lt3A_94 = arith.cmpi slt, %rem3A_90, %lt3A_93 : i32
    %lt3A_95 = arith.constant 0 : i32
    %lt3A_96 = arith.cmpi slt, %select_n3A_89, %lt3A_95 : i32
    %ne3A_97 = arith.xori %lt3A_94, %lt3A_96 : i1
    %and3A_98 = arith.andi %ne3A_97, %ne3A_92 : i1
    %add3A_99 = arith.addi %rem3A_90, %select_n3A_89 : i32
    %select_n3A_100 = arith.select %and3A_98, %add3A_99, %rem3A_90 : i32
    %eq3A_101 = arith.constant 1 : i32
    %eq3A_102 = arith.cmpi eq, %select_n3A_100, %eq3A_101 : i32
    %convert_element_type3A_103 = arith.extui %eq3A_102 : i1 to i32
    %cond3A_104 = arith.constant 0 : i32
    %cond3A_105 = arith.cmpi ne, %convert_element_type3A_103, %cond3A_104 : i32
    scf.if %cond3A_105 {
      %dma_start3A_112 = arith.constant 0 : i32
      %dma_start3A_113 = arith.constant 0 : i32
      %dma_start3A_114 = arith.constant 0 : i32
      %dma_start3A_115 = tpu.memref_slice %arg9[%dma_start3A_113, %dma_start3A_114] : memref<640x16xf32, #tpu.memory_space<vmem>> -> memref<128x16xf32, #tpu.memory_space<vmem>>
      %dma_start3A_116 = arith.constant 0 : i32
      %dma_start3A_117 = tpu.memref_slice %arg8[%dma_start3A_112, %dma_start3A_116] : memref<5x128xi32, #tpu.memory_space<vmem>> -> memref<1x128xi32, #tpu.memory_space<vmem>>
      %dma_start3A_118 = tpu.memref_squeeze %dma_start3A_117 : memref<1x128xi32, #tpu.memory_space<vmem>> -> memref<128xi32, #tpu.memory_space<vmem>>
      %dma_start3A_119 = arith.constant 0 : i32
      %dma_start3A_120 = arith.constant 0 : i32
      %dma_start3A_121 = tpu.memref_slice %arg6[%dma_start3A_119, %dma_start3A_120] : memref<100000x16xf32, #tpu.memory_space<vmem_shared>> -> memref<100000x16xf32, #tpu.memory_space<vmem_shared>>
      tpu.enqueue_indirect_dma source(%dma_start3A_115 : memref<128x16xf32, #tpu.memory_space<vmem>>) target(%dma_start3A_121 : memref<100000x16xf32, #tpu.memory_space<vmem_shared>>) offsets(%dma_start3A_118 : memref<128xi32, #tpu.memory_space<vmem>>) semaphore(%arg15 : memref<!tpu.dma_semaphore, #tpu.memory_space<semaphore_mem>>) {add = true}
      %dma_start3A_122 = arith.constant 0 : i32
      %dma_start3A_123 = arith.constant 0 : i32
      %dma_start3A_124 = arith.constant 0 : i32
      %dma_start3A_125 = tpu.memref_slice %arg9[%dma_start3A_123, %dma_start3A_124] : memref<640x16xf32, #tpu.memory_space<vmem>> -> memref<128x16xf32, #tpu.memory_space<vmem>>
      %dma_start3A_126 = arith.constant 0 : i32
      %dma_start3A_127 = tpu.memref_slice %arg7[%dma_start3A_122, %dma_start3A_126] : memref<5x128xi32, #tpu.memory_space<vmem>> -> memref<1x128xi32, #tpu.memory_space<vmem>>
      %dma_start3A_128 = tpu.memref_squeeze %dma_start3A_127 : memref<1x128xi32, #tpu.memory_space<vmem>> -> memref<128xi32, #tpu.memory_space<vmem>>
      %dma_start3A_129 = arith.constant 0 : i32
      %dma_start3A_130 = arith.constant 0 : i32
      %dma_start3A_131 = tpu.memref_slice %arg6[%dma_start3A_129, %dma_start3A_130] : memref<100000x16xf32, #tpu.memory_space<vmem_shared>> -> memref<100000x16xf32, #tpu.memory_space<vmem_shared>>
      tpu.enqueue_indirect_dma source(%dma_start3A_125 : memref<128x16xf32, #tpu.memory_space<vmem>>) target(%dma_start3A_131 : memref<100000x16xf32, #tpu.memory_space<vmem_shared>>) offsets(%dma_start3A_128 : memref<128xi32, #tpu.memory_space<vmem>>) semaphore(%arg15 : memref<!tpu.dma_semaphore, #tpu.memory_space<semaphore_mem>>) {add = true}
      %dma_start3A_132 = arith.constant 1 : i32
      %dma_start3A_133 = arith.constant 128 : i32
      %dma_start3A_134 = arith.constant 0 : i32
      %dma_start3A_135 = tpu.memref_slice %arg9[%dma_start3A_133, %dma_start3A_134] : memref<640x16xf32, #tpu.memory_space<vmem>> -> memref<128x16xf32, #tpu.memory_space<vmem>>
      %dma_start3A_136 = arith.constant 0 : i32
      %dma_start3A_137 = tpu.memref_slice %arg8[%dma_start3A_132, %dma_start3A_136] : memref<5x128xi32, #tpu.memory_space<vmem>> -> memref<1x128xi32, #tpu.memory_space<vmem>>
      %dma_start3A_138 = tpu.memref_squeeze %dma_start3A_137 : memref<1x128xi32, #tpu.memory_space<vmem>> -> memref<128xi32, #tpu.memory_space<vmem>>
      %dma_start3A_139 = arith.constant 0 : i32
      %dma_start3A_140 = arith.constant 0 : i32
      %dma_start3A_141 = tpu.memref_slice %arg6[%dma_start3A_139, %dma_start3A_140] : memref<100000x16xf32, #tpu.memory_space<vmem_shared>> -> memref<100000x16xf32, #tpu.memory_space<vmem_shared>>
      tpu.enqueue_indirect_dma source(%dma_start3A_135 : memref<128x16xf32, #tpu.memory_space<vmem>>) target(%dma_start3A_141 : memref<100000x16xf32, #tpu.memory_space<vmem_shared>>) offsets(%dma_start3A_138 : memref<128xi32, #tpu.memory_space<vmem>>) semaphore(%arg15 : memref<!tpu.dma_semaphore, #tpu.memory_space<semaphore_mem>>) {add = true}
      %dma_start3A_142 = arith.constant 1 : i32
      %dma_start3A_143 = arith.constant 128 : i32
      %dma_start3A_144 = arith.constant 0 : i32
      %dma_start3A_145 = tpu.memref_slice %arg9[%dma_start3A_143, %dma_start3A_144] : memref<640x16xf32, #tpu.memory_space<vmem>> -> memref<128x16xf32, #tpu.memory_space<vmem>>
      %dma_start3A_146 = arith.constant 0 : i32
      %dma_start3A_147 = tpu.memref_slice %arg7[%dma_start3A_142, %dma_start3A_146] : memref<5x128xi32, #tpu.memory_space<vmem>> -> memref<1x128xi32, #tpu.memory_space<vmem>>
      %dma_start3A_148 = tpu.memref_squeeze %dma_start3A_147 : memref<1x128xi32, #tpu.memory_space<vmem>> -> memref<128xi32, #tpu.memory_space<vmem>>
      %dma_start3A_149 = arith.constant 0 : i32
      %dma_start3A_150 = arith.constant 0 : i32
      %dma_start3A_151 = tpu.memref_slice %arg6[%dma_start3A_149, %dma_start3A_150] : memref<100000x16xf32, #tpu.memory_space<vmem_shared>> -> memref<100000x16xf32, #tpu.memory_space<vmem_shared>>
      tpu.enqueue_indirect_dma source(%dma_start3A_145 : memref<128x16xf32, #tpu.memory_space<vmem>>) target(%dma_start3A_151 : memref<100000x16xf32, #tpu.memory_space<vmem_shared>>) offsets(%dma_start3A_148 : memref<128xi32, #tpu.memory_space<vmem>>) semaphore(%arg15 : memref<!tpu.dma_semaphore, #tpu.memory_space<semaphore_mem>>) {add = true}
      %dma_start3A_152 = arith.constant 2 : i32
      %dma_start3A_153 = arith.constant 256 : i32
      %dma_start3A_154 = arith.constant 0 : i32
      %dma_start3A_155 = tpu.memref_slice %arg9[%dma_start3A_153, %dma_start3A_154] : memref<640x16xf32, #tpu.memory_space<vmem>> -> memref<128x16xf32, #tpu.memory_space<vmem>>
      %dma_start3A_156 = arith.constant 0 : i32
      %dma_start3A_157 = tpu.memref_slice %arg8[%dma_start3A_152, %dma_start3A_156] : memref<5x128xi32, #tpu.memory_space<vmem>> -> memref<1x128xi32, #tpu.memory_space<vmem>>
      %dma_start3A_158 = tpu.memref_squeeze %dma_start3A_157 : memref<1x128xi32, #tpu.memory_space<vmem>> -> memref<128xi32, #tpu.memory_space<vmem>>
      %dma_start3A_159 = arith.constant 0 : i32
      %dma_start3A_160 = arith.constant 0 : i32
      %dma_start3A_161 = tpu.memref_slice %arg6[%dma_start3A_159, %dma_start3A_160] : memref<100000x16xf32, #tpu.memory_space<vmem_shared>> -> memref<100000x16xf32, #tpu.memory_space<vmem_shared>>
      tpu.enqueue_indirect_dma source(%dma_start3A_155 : memref<128x16xf32, #tpu.memory_space<vmem>>) target(%dma_start3A_161 : memref<100000x16xf32, #tpu.memory_space<vmem_shared>>) offsets(%dma_start3A_158 : memref<128xi32, #tpu.memory_space<vmem>>) semaphore(%arg15 : memref<!tpu.dma_semaphore, #tpu.memory_space<semaphore_mem>>) {add = true}
      %dma_start3A_162 = arith.constant 2 : i32
      %dma_start3A_163 = arith.constant 256 : i32
      %dma_start3A_164 = arith.constant 0 : i32
      %dma_start3A_165 = tpu.memref_slice %arg9[%dma_start3A_163, %dma_start3A_164] : memref<640x16xf32, #tpu.memory_space<vmem>> -> memref<128x16xf32, #tpu.memory_space<vmem>>
      %dma_start3A_166 = arith.constant 0 : i32
      %dma_start3A_167 = tpu.memref_slice %arg7[%dma_start3A_162, %dma_start3A_166] : memref<5x128xi32, #tpu.memory_space<vmem>> -> memref<1x128xi32, #tpu.memory_space<vmem>>
      %dma_start3A_168 = tpu.memref_squeeze %dma_start3A_167 : memref<1x128xi32, #tpu.memory_space<vmem>> -> memref<128xi32, #tpu.memory_space<vmem>>
      %dma_start3A_169 = arith.constant 0 : i32
      %dma_start3A_170 = arith.constant 0 : i32
      %dma_start3A_171 = tpu.memref_slice %arg6[%dma_start3A_169, %dma_start3A_170] : memref<100000x16xf32, #tpu.memory_space<vmem_shared>> -> memref<100000x16xf32, #tpu.memory_space<vmem_shared>>
      tpu.enqueue_indirect_dma source(%dma_start3A_165 : memref<128x16xf32, #tpu.memory_space<vmem>>) target(%dma_start3A_171 : memref<100000x16xf32, #tpu.memory_space<vmem_shared>>) offsets(%dma_start3A_168 : memref<128xi32, #tpu.memory_space<vmem>>) semaphore(%arg15 : memref<!tpu.dma_semaphore, #tpu.memory_space<semaphore_mem>>) {add = true}
      %dma_start3A_172 = arith.constant 3 : i32
      %dma_start3A_173 = arith.constant 384 : i32
      %dma_start3A_174 = arith.constant 0 : i32
      %dma_start3A_175 = tpu.memref_slice %arg9[%dma_start3A_173, %dma_start3A_174] : memref<640x16xf32, #tpu.memory_space<vmem>> -> memref<128x16xf32, #tpu.memory_space<vmem>>
      %dma_start3A_176 = arith.constant 0 : i32
      %dma_start3A_177 = tpu.memref_slice %arg8[%dma_start3A_172, %dma_start3A_176] : memref<5x128xi32, #tpu.memory_space<vmem>> -> memref<1x128xi32, #tpu.memory_space<vmem>>
      %dma_start3A_178 = tpu.memref_squeeze %dma_start3A_177 : memref<1x128xi32, #tpu.memory_space<vmem>> -> memref<128xi32, #tpu.memory_space<vmem>>
      %dma_start3A_179 = arith.constant 0 : i32
      %dma_start3A_180 = arith.constant 0 : i32
      %dma_start3A_181 = tpu.memref_slice %arg6[%dma_start3A_179, %dma_start3A_180] : memref<100000x16xf32, #tpu.memory_space<vmem_shared>> -> memref<100000x16xf32, #tpu.memory_space<vmem_shared>>
      tpu.enqueue_indirect_dma source(%dma_start3A_175 : memref<128x16xf32, #tpu.memory_space<vmem>>) target(%dma_start3A_181 : memref<100000x16xf32, #tpu.memory_space<vmem_shared>>) offsets(%dma_start3A_178 : memref<128xi32, #tpu.memory_space<vmem>>) semaphore(%arg15 : memref<!tpu.dma_semaphore, #tpu.memory_space<semaphore_mem>>) {add = true}
      %dma_start3A_182 = arith.constant 3 : i32
      %dma_start3A_183 = arith.constant 384 : i32
      %dma_start3A_184 = arith.constant 0 : i32
      %dma_start3A_185 = tpu.memref_slice %arg9[%dma_start3A_183, %dma_start3A_184] : memref<640x16xf32, #tpu.memory_space<vmem>> -> memref<128x16xf32, #tpu.memory_space<vmem>>
      %dma_start3A_186 = arith.constant 0 : i32
      %dma_start3A_187 = tpu.memref_slice %arg7[%dma_start3A_182, %dma_start3A_186] : memref<5x128xi32, #tpu.memory_space<vmem>> -> memref<1x128xi32, #tpu.memory_space<vmem>>
      %dma_start3A_188 = tpu.memref_squeeze %dma_start3A_187 : memref<1x128xi32, #tpu.memory_space<vmem>> -> memref<128xi32, #tpu.memory_space<vmem>>
      %dma_start3A_189 = arith.constant 0 : i32
      %dma_start3A_190 = arith.constant 0 : i32
      %dma_start3A_191 = tpu.memref_slice %arg6[%dma_start3A_189, %dma_start3A_190] : memref<100000x16xf32, #tpu.memory_space<vmem_shared>> -> memref<100000x16xf32, #tpu.memory_space<vmem_shared>>
      tpu.enqueue_indirect_dma source(%dma_start3A_185 : memref<128x16xf32, #tpu.memory_space<vmem>>) target(%dma_start3A_191 : memref<100000x16xf32, #tpu.memory_space<vmem_shared>>) offsets(%dma_start3A_188 : memref<128xi32, #tpu.memory_space<vmem>>) semaphore(%arg15 : memref<!tpu.dma_semaphore, #tpu.memory_space<semaphore_mem>>) {add = true}
      %dma_start3A_192 = arith.constant 4 : i32
      %dma_start3A_193 = arith.constant 512 : i32
      %dma_start3A_194 = arith.constant 0 : i32
      %dma_start3A_195 = tpu.memref_slice %arg9[%dma_start3A_193, %dma_start3A_194] : memref<640x16xf32, #tpu.memory_space<vmem>> -> memref<128x16xf32, #tpu.memory_space<vmem>>
      %dma_start3A_196 = arith.constant 0 : i32
      %dma_start3A_197 = tpu.memref_slice %arg8[%dma_start3A_192, %dma_start3A_196] : memref<5x128xi32, #tpu.memory_space<vmem>> -> memref<1x128xi32, #tpu.memory_space<vmem>>
      %dma_start3A_198 = tpu.memref_squeeze %dma_start3A_197 : memref<1x128xi32, #tpu.memory_space<vmem>> -> memref<128xi32, #tpu.memory_space<vmem>>
      %dma_start3A_199 = arith.constant 0 : i32
      %dma_start3A_200 = arith.constant 0 : i32
      %dma_start3A_201 = tpu.memref_slice %arg6[%dma_start3A_199, %dma_start3A_200] : memref<100000x16xf32, #tpu.memory_space<vmem_shared>> -> memref<100000x16xf32, #tpu.memory_space<vmem_shared>>
      tpu.enqueue_indirect_dma source(%dma_start3A_195 : memref<128x16xf32, #tpu.memory_space<vmem>>) target(%dma_start3A_201 : memref<100000x16xf32, #tpu.memory_space<vmem_shared>>) offsets(%dma_start3A_198 : memref<128xi32, #tpu.memory_space<vmem>>) semaphore(%arg15 : memref<!tpu.dma_semaphore, #tpu.memory_space<semaphore_mem>>) {add = true}
      %dma_start3A_202 = arith.constant 4 : i32
      %dma_start3A_203 = arith.constant 512 : i32
      %dma_start3A_204 = arith.constant 0 : i32
      %dma_start3A_205 = tpu.memref_slice %arg9[%dma_start3A_203, %dma_start3A_204] : memref<640x16xf32, #tpu.memory_space<vmem>> -> memref<128x16xf32, #tpu.memory_space<vmem>>
      %dma_start3A_206 = arith.constant 0 : i32
      %dma_start3A_207 = tpu.memref_slice %arg7[%dma_start3A_202, %dma_start3A_206] : memref<5x128xi32, #tpu.memory_space<vmem>> -> memref<1x128xi32, #tpu.memory_space<vmem>>
      %dma_start3A_208 = tpu.memref_squeeze %dma_start3A_207 : memref<1x128xi32, #tpu.memory_space<vmem>> -> memref<128xi32, #tpu.memory_space<vmem>>
      %dma_start3A_209 = arith.constant 0 : i32
      %dma_start3A_210 = arith.constant 0 : i32
      %dma_start3A_211 = tpu.memref_slice %arg6[%dma_start3A_209, %dma_start3A_210] : memref<100000x16xf32, #tpu.memory_space<vmem_shared>> -> memref<100000x16xf32, #tpu.memory_space<vmem_shared>>
      tpu.enqueue_indirect_dma source(%dma_start3A_205 : memref<128x16xf32, #tpu.memory_space<vmem>>) target(%dma_start3A_211 : memref<100000x16xf32, #tpu.memory_space<vmem_shared>>) offsets(%dma_start3A_208 : memref<128xi32, #tpu.memory_space<vmem>>) semaphore(%arg15 : memref<!tpu.dma_semaphore, #tpu.memory_space<semaphore_mem>>) {add = true}
      %dma_wait3A_212 = arith.constant 0 : i32
      %dma_wait3A_213 = arith.constant 0 : i32
      %dma_wait3A_214 = tpu.memref_slice %arg4[%dma_wait3A_212, %dma_wait3A_213] : memref<100000x16xf32, #tpu.memory_space<hbm>> -> memref<640x16xf32, #tpu.memory_space<hbm>>
      %dma_wait3A_215 = arith.constant 0 : i32
      %dma_wait3A_216 = arith.constant 0 : i32
      %dma_wait3A_217 = tpu.memref_slice %arg4[%dma_wait3A_215, %dma_wait3A_216] : memref<100000x16xf32, #tpu.memory_space<hbm>> -> memref<640x16xf32, #tpu.memory_space<hbm>>
      tpu.wait_dma2 semaphore(%arg15 : memref<!tpu.dma_semaphore, #tpu.memory_space<semaphore_mem>>) src(%dma_wait3A_217 : memref<640x16xf32, #tpu.memory_space<hbm>>) dst(%arg9 : memref<640x16xf32, #tpu.memory_space<vmem>>)
      %dma_wait3A_218 = arith.constant 0 : i32
      %dma_wait3A_219 = arith.constant 0 : i32
      %dma_wait3A_220 = tpu.memref_slice %arg4[%dma_wait3A_218, %dma_wait3A_219] : memref<100000x16xf32, #tpu.memory_space<hbm>> -> memref<640x16xf32, #tpu.memory_space<hbm>>
      %dma_wait3A_221 = arith.constant 0 : i32
      %dma_wait3A_222 = arith.constant 0 : i32
      %dma_wait3A_223 = tpu.memref_slice %arg4[%dma_wait3A_221, %dma_wait3A_222] : memref<100000x16xf32, #tpu.memory_space<hbm>> -> memref<640x16xf32, #tpu.memory_space<hbm>>
      tpu.wait_dma2 semaphore(%arg15 : memref<!tpu.dma_semaphore, #tpu.memory_space<semaphore_mem>>) src(%dma_wait3A_223 : memref<640x16xf32, #tpu.memory_space<hbm>>) dst(%arg9 : memref<640x16xf32, #tpu.memory_space<vmem>>)
    } else {
    }
    %barrier3A_106 = arith.constant 0 : index
    tpu.barrier barrier_id(%barrier3A_106)
    "tpu.region"() ({
      %run_scoped3A = tpu.sem_alloc : memref<!tpu.dma_semaphore, #tpu.memory_space<semaphore_mem>>
      %dma_start3A_112 = arith.constant 0 : i32
      %dma_start3A_113 = tpu.memref_slice %arg5[%arg0, %mul3A_10, %dma_start3A_112] : memref<2x100000x16xf32, #tpu.memory_space<hbm>> -> memref<1x6248x16xf32, #tpu.memory_space<hbm>>
      %dma_start3A_114 = tpu.memref_squeeze %dma_start3A_113 : memref<1x6248x16xf32, #tpu.memory_space<hbm>> -> memref<6248x16xf32, #tpu.memory_space<hbm>>
      %dma_start3A_115 = arith.constant 0 : i32
      %dma_start3A_116 = tpu.memref_slice %arg6[%mul3A_10, %dma_start3A_115] : memref<100000x16xf32, #tpu.memory_space<vmem_shared>> -> memref<6248x16xf32, #tpu.memory_space<vmem_shared>>
      tpu.enqueue_dma source(%dma_start3A_116 : memref<6248x16xf32, #tpu.memory_space<vmem_shared>>) target(%dma_start3A_114 : memref<6248x16xf32, #tpu.memory_space<hbm>>) target_semaphore(%run_scoped3A : memref<!tpu.dma_semaphore, #tpu.memory_space<semaphore_mem>>)
      %dma_wait3A_117 = arith.constant 0 : i32
      %dma_wait3A_118 = tpu.memref_slice %arg5[%arg0, %mul3A_10, %dma_wait3A_117] : memref<2x100000x16xf32, #tpu.memory_space<hbm>> -> memref<1x6248x16xf32, #tpu.memory_space<hbm>>
      %dma_wait3A_119 = tpu.memref_squeeze %dma_wait3A_118 : memref<1x6248x16xf32, #tpu.memory_space<hbm>> -> memref<6248x16xf32, #tpu.memory_space<hbm>>
      %dma_wait3A_120 = arith.constant 0 : i32
      %dma_wait3A_121 = tpu.memref_slice %arg6[%mul3A_10, %dma_wait3A_120] : memref<100000x16xf32, #tpu.memory_space<vmem_shared>> -> memref<6248x16xf32, #tpu.memory_space<vmem_shared>>
      tpu.wait_dma2 semaphore(%run_scoped3A : memref<!tpu.dma_semaphore, #tpu.memory_space<semaphore_mem>>) src(%dma_wait3A_121 : memref<6248x16xf32, #tpu.memory_space<vmem_shared>>) dst(%dma_wait3A_119 : memref<6248x16xf32, #tpu.memory_space<hbm>>)
      tpu.yield
    }) : () -> ()
    %eq3A_107 = arith.constant 0 : i32
    %eq3A_108 = arith.cmpi eq, %arg1, %eq3A_107 : i32
    %convert_element_type3A_109 = arith.extui %eq3A_108 : i1 to i32
    %cond3A_110 = arith.constant 0 : i32
    %cond3A_111 = arith.cmpi ne, %convert_element_type3A_109, %cond3A_110 : i32
    scf.if %cond3A_111 {
      "tpu.region"() ({
        %run_scoped3A = tpu.sem_alloc : memref<!tpu.dma_semaphore, #tpu.memory_space<semaphore_mem>>
        %dma_start3A_112 = arith.constant 99968 : i32
        %dma_start3A_113 = arith.constant 0 : i32
        %dma_start3A_114 = tpu.memref_slice %arg5[%arg0, %dma_start3A_112, %dma_start3A_113] : memref<2x100000x16xf32, #tpu.memory_space<hbm>> -> memref<1x32x16xf32, #tpu.memory_space<hbm>>
        %dma_start3A_115 = tpu.memref_squeeze %dma_start3A_114 : memref<1x32x16xf32, #tpu.memory_space<hbm>> -> memref<32x16xf32, #tpu.memory_space<hbm>>
        %dma_start3A_116 = arith.constant 99968 : i32
        %dma_start3A_117 = arith.constant 0 : i32
        %dma_start3A_118 = tpu.memref_slice %arg6[%dma_start3A_116, %dma_start3A_117] : memref<100000x16xf32, #tpu.memory_space<vmem_shared>> -> memref<32x16xf32, #tpu.memory_space<vmem_shared>>
        tpu.enqueue_dma source(%dma_start3A_118 : memref<32x16xf32, #tpu.memory_space<vmem_shared>>) target(%dma_start3A_115 : memref<32x16xf32, #tpu.memory_space<hbm>>) target_semaphore(%run_scoped3A : memref<!tpu.dma_semaphore, #tpu.memory_space<semaphore_mem>>)
        %dma_wait3A_119 = arith.constant 99968 : i32
        %dma_wait3A_120 = arith.constant 0 : i32
        %dma_wait3A_121 = tpu.memref_slice %arg5[%arg0, %dma_wait3A_119, %dma_wait3A_120] : memref<2x100000x16xf32, #tpu.memory_space<hbm>> -> memref<1x32x16xf32, #tpu.memory_space<hbm>>
        %dma_wait3A_122 = tpu.memref_squeeze %dma_wait3A_121 : memref<1x32x16xf32, #tpu.memory_space<hbm>> -> memref<32x16xf32, #tpu.memory_space<hbm>>
        %dma_wait3A_123 = arith.constant 99968 : i32
        %dma_wait3A_124 = arith.constant 0 : i32
        %dma_wait3A_125 = tpu.memref_slice %arg6[%dma_wait3A_123, %dma_wait3A_124] : memref<100000x16xf32, #tpu.memory_space<vmem_shared>> -> memref<32x16xf32, #tpu.memory_space<vmem_shared>>
        tpu.wait_dma2 semaphore(%run_scoped3A : memref<!tpu.dma_semaphore, #tpu.memory_space<semaphore_mem>>) src(%dma_wait3A_125 : memref<32x16xf32, #tpu.memory_space<vmem_shared>>) dst(%dma_wait3A_122 : memref<32x16xf32, #tpu.memory_space<hbm>>)
        tpu.yield
      }) : () -> ()
    } else {
    }
    return
  }
}

module attributes {stable_mosaic.version = 14 : i64} {
  func.func @_mlp_body(%arg0: i32, %arg1: memref<2x2000x16xf32, #tpu.memory_space<vmem>>, %arg2: memref<16x128xf32, #tpu.memory_space<vmem>>, %arg3: memref<1x128xf32, #tpu.memory_space<vmem>>, %arg4: memref<2000x128xf32, #tpu.memory_space<vmem>>) attributes {dimension_semantics = [#tpu.dimension_semantics<arbitrary>], iteration_bounds = array<i64: 50>, scalar_prefetch = 0 : i64, scratch_operands = 0 : i64, tpu.core_type = #tpu.core_type<tc>, window_params = [{transform_indices = @transform_0, window_bounds = array<i64: 2, 2000, 16>}, {pipeline_mode = #tpu.pipeline_mode<synchronous>, transform_indices = @transform_1, window_bounds = array<i64: 16, 128>}, {pipeline_mode = #tpu.pipeline_mode<synchronous>, transform_indices = @transform_2, window_bounds = array<i64: 1, 128>}, {transform_indices = @transform_3, window_bounds = array<i64: 2000, 128>}]} {
    %get3A = arith.constant 0 : index
    %get3A_0 = arith.constant 0 : index
    %get3A_1 = arith.constant 0 : index
    %get3A_2 = vector.load %arg1[%get3A, %get3A_0, %get3A_1] : memref<2x2000x16xf32, #tpu.memory_space<vmem>>, vector<1x2000x16xf32>
    %get3A_3 = vector.shape_cast %get3A_2 : vector<1x2000x16xf32> to vector<2000x16xf32>
    %get3A_4 = arith.constant 1 : index
    %get3A_5 = arith.constant 0 : index
    %get3A_6 = arith.constant 0 : index
    %get3A_7 = vector.load %arg1[%get3A_4, %get3A_5, %get3A_6] : memref<2x2000x16xf32, #tpu.memory_space<vmem>>, vector<1x2000x16xf32>
    %get3A_8 = vector.shape_cast %get3A_7 : vector<1x2000x16xf32> to vector<2000x16xf32>
    %add3A = arith.addf %get3A_3, %get3A_8 : vector<2000x16xf32>
    %get3A_9 = arith.constant 0 : index
    %get3A_10 = arith.constant 0 : index
    %get3A_11 = vector.load %arg2[%get3A_9, %get3A_10] : memref<16x128xf32, #tpu.memory_space<vmem>>, vector<16x128xf32>
    %dot_general3A = arith.constant dense<0.000000e+00> : vector<2000x128xf32>
    %dot_general3A_12 = tpu.matmul %add3A, %get3A_11, %dot_general3A {dimension_numbers = #tpu.dot_dimension_numbers<[1], [0], [0], [1], [0, 0, 1, 1], [], []>, transpose_lhs_hint = false} : vector<2000x16xf32>, vector<16x128xf32>, vector<2000x128xf32> -> vector<2000x128xf32>
    %get3A_13 = arith.constant 0 : index
    %get3A_14 = arith.constant 0 : index
    %get3A_15 = vector.load %arg3[%get3A_13, %get3A_14] : memref<1x128xf32, #tpu.memory_space<vmem>>, vector<1x128xf32>
    %add3A_16 = vector.broadcast %get3A_15 : vector<1x128xf32> to vector<2000x128xf32>
    %add3A_17 = arith.addf %dot_general3A_12, %add3A_16 : vector<2000x128xf32>
    %swap3A = arith.constant 0 : index
    %swap3A_18 = arith.constant 0 : index
    %swap3A_19 = vector.load %arg4[%swap3A, %swap3A_18] : memref<2000x128xf32, #tpu.memory_space<vmem>>, vector<2000x128xf32>
    tpu.vector_store %arg4[%swap3A, %swap3A_18], %add3A_17 {strides = array<i32>} : memref<2000x128xf32, #tpu.memory_space<vmem>>, vector<2000x128xf32>,
    return
  }
  func.func @transform_0(%arg0: i32) -> (i32, i32, i32) {
    %c0_i32 = arith.constant 0 : i32
    %c0_i32_0 = arith.constant 0 : i32
    %c0_i32_1 = arith.constant 0 : i32
    return %c0_i32, %arg0, %c0_i32_0 : i32, i32, i32
  }
  func.func @transform_1(%arg0: i32) -> (i32, i32) {
    %c0_i32 = arith.constant 0 : i32
    %c0_i32_0 = arith.constant 0 : i32
    %c0_i32_1 = arith.constant 0 : i32
    return %c0_i32, %c0_i32_0 : i32, i32
  }
  func.func @transform_2(%arg0: i32) -> (i32, i32) {
    %c0_i32 = arith.constant 0 : i32
    %c0_i32_0 = arith.constant 0 : i32
    %c0_i32_1 = arith.constant 0 : i32
    return %c0_i32, %c0_i32_0 : i32, i32
  }
  func.func @transform_3(%arg0: i32) -> (i32, i32) {
    %c0_i32 = arith.constant 0 : i32
    %c0_i32_0 = arith.constant 0 : i32
    return %arg0, %c0_i32 : i32, i32
  }
}

</mosaic_0001>

<sc_bundles>
// kernel: kernel.4.cloned.1.call-start
scs
__scs_entry_jumppad:
0x0: {  	(pc) =	sbr.rel $0x88, $3  }
0x1: {  	(tag) =	ssettag $0x0;
	lr =	simm.s32 $0x1  }
0x2: {  	[smem:$0x3F9D] =	sst lr;
	_ =	strace $0xD0000000  }
0x3: {  	_ = 	snop  }
0x4: {  	_ = 	snop  }
0x5: {  	_ = 	snop  }
0x6: {  	_ = 	snop  }
0x7: {  	_ = 	snop  }
__scs_overlays_trampoline_lowered:
0x8: {  	[smem:$0x3FAC] =	sst s0  }
0x9: {  	[smem:$0x3FAD] =	sst s1  }
0xa: {  	[smem:$0x3FAE] =	sst s2  }
0xb: {  	[smem:$0x3FAF] =	sst s3  }
0xc: {  	[smem:$0x3FB0] =	sst s4  }
0xd: {  	[smem:$0x3FB1] =	sst s5  }
0xe: {  	[smem:$0x3FB2] =	sst s6  }
0xf: {  	[smem:$0x3FB3] =	sst s7  }
0x10: {  	[smem:$0x3FB4] =	sst s8  }
0x11: {  	[smem:$0x3FB5] =	sst s9;
	s0 =	simm.s32 @!p0 $0x0  }
0x12: {  	s1 =	sld [smem:$0x3F9B];
	s0 =	simm.s32 @p0 $0x1  }
0x13: {  	[smem:$0x3FB6] =	sst s0;
	s0 =	simm.s32 @!p1 $0x0  }
0x14: {  	s2 =	sld [smem:$0x3F9A];
	s0 =	simm.s32 @p1 $0x1  }
0x15: {  	[smem:$0x3FB7] =	sst s0;
	s0 =	simm.s32 @!p2 $0x0  }
0x16: {  	s3 =	sld [smem:$0x3FDB];
	s0 =	simm.s32 @p2 $0x1  }
0x17: {  	s4 =	simm.s32 $0x1BF5;
	[smem:$0x3FB9] =	sst s0  }
0x18: {  	s0 =	sld [smem:$0x3F9C];
	_ =	swait.ge [sflag:s4], $0x0  }
0x19: {  	s7 =	sld [smem:$0x3F9D]  }
0x1a: {  	s8 =	sadd.s32 $0xFFFFE003, lr  }
0x1b: {  	s9 =	sadd.s32 $0xFFFFFEF7, lr;
	s5 =	simm.s32 $0xFFFFFFFF;
	p2 =	slt.u32 s8, $0xFFFFF086  }
0x1c: {  	p1 =	slt.u32 s9, $0xF7A;
	s5 =	simm.s32 @!p2 $0x0  }
0x1d: {  	s5 =	simm.s32 @p1 $0x1;
	p0 =	seq.s32 s7, s2  }
0x1e: {  	s7 =	smul.u32 @!p0 $0xF7A, s2;
	p2 =	seq.s32 @!p0 s5, $0x0  }
0x1f: {  	s9 =	smul.u32 $0xF7A, s1;
	s8 =	simm.s32 @!p0 $0x1BF5;
	p2 =	por !p2, p0  }
0x20: {  	[sflag:s8] =	ssyncset.s32 @!p0 $0xFFFFF086;
	s6 =	sadd.s32 @!p0 s3, s7;
	s7 =	simm.s32 @!p0 $0x108  }
0x21: {  	s3 =	sadd.s32 s3, s9;
	s6 =	sadd.s32 @!p0 $0x88, s6;
	s7 =	simm.s32 @p2 $0x1082  }
0x22: {  	[simem:s7], [sflag:s8] =	dma.local @!p0 [hbm:s6], $0xF7A  }
0x23: {  	s9 =	sor.u32 $0xD0000000, s2;
	s6 =	simm.s32 $0x108;
	_ =	swait.ge @!p0 [sflag:s8], $0x0  }
0x24: {  	s3 =	sadd.s32 $0x88, s3;
	s6 =	simm.s32 @!p1 $0x1082;
	[sflag:s4] =	ssyncset.s32 $0xFFFFF086  }
0x25: {  	[simem:s6], [sflag:s4] =	dma.local [hbm:s3], $0xF7A  }
0x26: {  	[smem:$0x3F9D] =	sst s1;
	(tag) =	ssettag s2;
	_ =	strace s9  }
0x27: {  	s1 =	sld [smem:$0x3FAD]  }
0x28: {  	s2 =	sld [smem:$0x3FAE]  }
0x29: {  	s4 =	sld [smem:$0x3FB0]  }
0x2a: {  	p0 =	seq.s32 s5, $0x0;
	s5 =	sld [smem:$0x3FB1]  }
0x2b: {  	s6 =	sld [smem:$0x3FB2]  }
0x2c: {  	s7 =	sld [smem:$0x3FB3]  }
0x2d: {  	s3 =	simm.s32 $0x108;
	s8 =	sld [smem:$0x3FB4]  }
0x2e: {  	s3 =	simm.s32 @!p0 $0x1082;
	s9 =	sld [smem:$0x3FB5]  }
0x2f: {  	lr =	sadd.s32 s0, s3;
	s0 =	sld [smem:$0x3FAC]  }
0x30: {  	s3 =	sld [smem:$0x3FAF]  }
0x31: {  	[smem:$0x3FB8] =	sst s10  }
0x32: {  	s10 =	sld [smem:$0x3FB6];
	_ =	sdelay $0x3  }
0x33: {  	p0 =	seq.s32 s10, $0x1;
	s10 =	sld [smem:$0x3FB8];
	_ =	sdelay $0x3  }
0x34: {  	[smem:$0x3FB8] =	sst s10  }
0x35: {  	s10 =	sld [smem:$0x3FB7];
	_ =	sdelay $0x3  }
0x36: {  	p1 =	seq.s32 s10, $0x1;
	s10 =	sld [smem:$0x3FB8];
	_ =	sdelay $0x3  }
0x37: {  	[smem:$0x3FB8] =	sst s10  }
0x38: {  	s10 =	sld [smem:$0x3FB9]  }
0x39: {  	_ = 	snop;
	(pc) =	sbr.ind lr, $3  }
0x3a: {  	_ = 	snop  }
0x3b: {  	_ = 	snop  }
0x3c: {  	p2 =	seq.s32 s10, $0x1;
	s10 =	sld [smem:$0x3FB8]  }
0x3d: {  	_ =	shalt  }
0x3e: {  	_ =	shalt  }
0x3f: {  	_ =	shalt  }
0x40: {  	_ =	shalt  }
0x41: {  	_ =	shalt  }
0x42: {  	_ =	shalt  }
0x43: {  	_ =	shalt  }
0x44: {  	_ =	shalt  }
0x45: {  	_ =	shalt  }
0x46: {  	_ =	shalt  }
0x47: {  	_ =	shalt  }
0x48: {  	_ =	shalt  }
0x49: {  	_ =	shalt  }
0x4a: {  	_ =	shalt  }
0x4b: {  	_ =	shalt  }
0x4c: {  	_ =	shalt  }
0x4d: {  	_ =	shalt  }
0x4e: {  	_ =	shalt  }
0x4f: {  	_ =	shalt  }
0x50: {  	_ =	shalt  }
0x51: {  	_ =	shalt  }
0x52: {  	_ =	shalt  }
0x53: {  	_ =	shalt  }
0x54: {  	_ =	shalt  }
0x55: {  	_ =	shalt  }
0x56: {  	_ =	shalt  }
0x57: {  	_ =	shalt  }
0x58: {  	_ =	shalt  }
0x59: {  	_ =	shalt  }
0x5a: {  	_ =	shalt  }
0x5b: {  	_ =	shalt  }
0x5c: {  	_ =	shalt  }
0x5d: {  	_ =	shalt  }
0x5e: {  	_ =	shalt  }
0x5f: {  	_ =	shalt  }
0x60: {  	_ =	shalt  }
0x61: {  	_ =	shalt  }
0x62: {  	_ =	shalt  }
0x63: {  	_ =	shalt  }
0x64: {  	_ =	shalt  }
0x65: {  	_ =	shalt  }
0x66: {  	_ =	shalt  }
0x67: {  	_ =	shalt  }
0x68: {  	_ =	shalt  }
0x69: {  	_ =	shalt  }
0x6a: {  	_ =	shalt  }
0x6b: {  	_ =	shalt  }
0x6c: {  	_ =	shalt  }
0x6d: {  	_ =	shalt  }
0x6e: {  	_ =	shalt  }
0x6f: {  	_ =	shalt  }
0x70: {  	_ =	shalt  }
0x71: {  	_ =	shalt  }
0x72: {  	_ =	shalt  }
0x73: {  	_ =	shalt  }
0x74: {  	_ =	shalt  }
0x75: {  	_ =	shalt  }
0x76: {  	_ =	shalt  }
0x77: {  	_ =	shalt  }
0x78: {  	_ =	shalt  }
0x79: {  	_ =	shalt  }
0x7a: {  	_ =	shalt  }
0x7b: {  	_ =	shalt  }
0x7c: {  	_ =	shalt  }
0x7d: {  	_ =	shalt  }
0x7e: {  	_ =	shalt  }
0x7f: {  	_ =	shalt  }
0x80: {  	_ =	shalt  }
0x81: {  	_ =	shalt  }
0x82: {  	_ =	shalt  }
0x83: {  	_ =	shalt  }
0x84: {  	_ =	shalt  }
0x85: {  	_ =	shalt  }
0x86: {  	_ =	shalt  }
0x87: {  	_ =	shalt  }
.Lfunc_end0:
.L_simem_size_0:
called_computation_lowered:
.L_overlay_start_0:
0x88: {  	s2 =	sld [smem:$0x3FD9]  }
0x89: {  	s3 =	sld [smem:$0x3FFE];
	_ =	sdelay $0x1  }
0x8a: {  	s1 =	srdreg.scid  }
0x8b: {  	s0 =	sand.u32 $0x1, s1  }
0x8c: {  	s17 =	sshll.u32 s0, $0xA;
	s2 =	sadd.s32 s3, s2  }
0x8d: {  	s2 =	sadd.s32 s2, s17  }
0x8e: {  	[smem:$0x3FC4] =	sst s2  }
0x8f: {  	_ = 	snop  }
0x90: {  	s2 =	sld [smem:$0x3FD0];
	(tm) =	ssettm $0x1  }
0x91: {  	s18 =	sld [smem:$0x3FFB];
	_ =	sdelay $0x3  }
0x92: {  	_ =	strace s18  }
0x93: {  	s3 =	sld [smem:$0x3FFC];
	_ =	sdelay $0x3  }
0x94: {  	_ =	strace s3  }
0x95: {  	s3 =	sld [smem:$0x3FFD];
	_ =	sdelay $0x3  }
0x96: {  	_ =	strace s3  }
0x97: {  	_ =	strace $0x8FFFFFFF  }
0x98: {  	s19 =	sld [smem:$0x3FDB];
	_ =	sdelay $0x1  }
0x99: {  	s4 =	simm.s32 $_scs_section_size  }
0x9a: {  	s5 =	simm.s32 $_size__tile_overlayer_lowered;
	s6 =	simm.s32 $_tile_overlayer_lowered  }
0x9b: {  	s22 =	simm.s32 $0x1BFF;
	s21 =	sshll.u32 s6, $0x1;
	s3 =	sadd.s32 s4, s19  }
0x9c: {  	s7 =	simm.s32 $0x0;
	s20 =	sshll.u32 s5, $0x1;
	s5 =	sadd.s32 s21, s3  }
0x9d: {  	[timem:s7], [sflag:s22] =	dma.local [hbm:s5], s20  }
0x9e: {  	_ =	swait.ge [sflag:s22], s20  }
0x9f: {  	s4 =	ssub.s32 $0x0, s20;
	[sflag:s22] =	ssyncset.done $0x0  }
0xa0: {  	[sflag:s22] =	ssyncadd.s32 s4;
	_ =	sdelay $0x1  }
0xa1: {  	s23 =	simm.s32 $0x1B8B  }
0xa2: {  	_ =	swait.ge [sflag:s23], $0x1  }
0xa3: {  	[sflag:s23] =	ssyncset.done $0x0  }
0xa4: {  	s25 =	simm.s32 $0x1B8E;
	s24 =	sld [smem:$0x3FFE];
	[sflag:s23] =	ssyncadd.s32 $0xFFFFFFFF  }
0xa5: {  	s26 =	simm.s32 $execute0_lowered;
	[smem:$0x3FD2] =	sst s25  }
0xa6: {  	s5 =	sshll.u32 s26, $0x1;
	_ =	strace $0x80000046;
	[dreg:$0x1] =	wrdreg $0xFFFFFFFF  }
0xa7: {  	s28 =	simm.s32 $_size_execute0_lowered;
	s3 =	sadd.s32 s3, s5;
	[dreg:$0x0] =	wrdreg $0x0  }
0xa8: {  	s5 =	sshll.u32 s28, $0x1;
	[dreg:$0x2] =	wrdreg s3  }
0xa9: {  	[dreg:$0x3] =	wrdreg s5  }
0xaa: {  	[dreg:$0x4] =	wrdreg $0xC0  }
0xab: {  	_ =	task [dreg:s7], $0x5FFFF  }
0xac: {  	[dreg:$0x1] =	wrdreg $0xFFFFFFFF  }
0xad: {  	[dreg:$0x0] =	wrdreg $0x60  }
0xae: {  	[dreg:$0x2] =	wrdreg s24  }
0xaf: {  	[dreg:$0x3] =	wrdreg s2  }
0xb0: {  	[dreg:$0x4] =	wrdreg $0x0  }
0xb1: {  	[dreg:$0x5] =	wrdreg $0x9  }
0xb2: {  	_ =	task.clear_ibuf [dreg:s7], $0x6FFFF;
	_ =	strace $0x90000046  }
0xb3: {  	s29 =	simm.s32 $0x9;
	_ =	strace $0x80000048  }
0xb4: {  	_ =	swait.ge [sflag:s29], $0x1  }
0xb5: {  	[sflag:s29] =	ssyncadd.s32 $0xFFFFFFFF  }
0xb6: {  	_ =	strace $0x90000048  }
0xb7: {  	_ =	sfence  }
0xb8: {  	s30 =	sld [smem:$0x0];
	_ =	sdelay $0x2  }
0xb9: {  	s31 =	sshll.u32 s1, $0xD;
	s1 =	sshrl.u32 s1, $0x2  }
0xba: {  	s3 =	sand.u32 $0x4000, s31;
	s1 =	sadd.s32 s1, s30  }
0xbb: {  	s0 =	sor.u32 s3, s0;
	s1 =	sshll.u32 s1, $0x11  }
0xbc: {  	s0 =	sor.u32 s1, s0  }
0xbd: {  	s0 =	sadd.s32 $0x8F2B, s0  }
0xbe: {  	[sflag:s0] =	ssyncadd.remote.s32 $0x1  }
0xbf: {  	_ =	sfence.sel $0xFFFF  }
0xc0: {  	[dreg:$0x0] =	wrdreg $0xFFFFFFFF;
	(pc) =	sbr.abs _section_cstart, $3  }
0xc1: {  	[dreg:$0x1] =	wrdreg $0xFFFFFFFF  }
0xc2: {  	_ =	task.clear_ibuf [dreg:s7], $0x2FFFF;
	_ =	strace $0x9FFFFFFF  }
0xc3: {  	(tm) =	ssettm $0x7FFFFFFF  }
tec
execute0_lowered:
.L_overlay_start_1:
0x0: {  	(tag) =	ssettag $0x1  }
0x1: {  	s5 =	rddreg [dreg:$0x0]  }
0x2: {  	s1 =	rddreg [dreg:$0x1]  }
0x3: {  	s2 =	rddreg [dreg:$0x2];
	s3 =	simm.s32 $0x0  }
0x4: {  	s0 =	stileid.u32;
	s6 =	srdreg.scid;
	s13 =	simm.s32 $0x9D  }
0x5: {  	s28 =	simm.s32 $0x80;
	s29 =	simm.s32 $0x193A0;
	s30 =	simm.s32 $0x19BA0  }
0x6: {  	s31 =	simm.s32 $0x1A3A0;
	[smem:$0x7FF] =	sst s3;
	s9 =	smul.u32 $0x18680, s0  }
0x7: {  	s4 =	sadd.s32 $0x30D4A00, s5;
	s6 =	sand.u32 $0x1, s6;
	s7 =	sshll.u32 s0, $0x1  }
0x8: {  	s14 =	sadd.s32 $0x31800, s5;
	p0 =	slt.u32 s0, $0x4;
	s20 =	smul.u32 $0x6180, s0  }
0x9: {  	s25 =	sshll.u32 s0, $0x6;
	s26 =	sadd.s32 $0x186800, s2;
	s22 =	smul.u32 $0x30C00, s0  }
0xa: {  	_ =	strace $0x80000047;
	s10 =	ssub.s32 $0x2, s6;
	s7 =	sor.u32 s6, s7  }
0xb: {  	s13 =	simm.s32 @!p0 $0x9C;
	s18 =	sor.u32 $0x1C05, s25;
	s17 =	smul.u32 $0x186A00, s6  }
0xc: {  	[dreg:$0x19] =	wrdreg s26;
	s21 =	smul.u32 $0x30C0, s6;
	p0 =	sne.s32 s0, $0x0  }
0xd: {  	s8 =	sshrl.u32 s9, $0x3;
	s24 =	sshrl.u32 s10, $0x1;
	s12 =	smul.u32 $0x9C, s7  }
0xe: {  	s16 =	sadd.s32 s9, s2;
	[dreg:$0x18] =	wrdreg s18;
	s11 =	sadd.s32 s8, s5  }
0xf: {  	s10 =	ssub.s32 s10, s24;
	s8 =	smin.u32 s7, $0x8;
	[dreg:$0x16] =	wrdreg s16  }
0x10: {  	s5 =	sadd.s32 $0x31700, s5;
	s9 =	sadd.s32 s9, s17;
	s25 =	smul.u32 $0x280, s8  }
0x11: {  	s12 =	sadd.s32 s8, s12;
	s11 =	sadd.s32 $0xA00, s11;
	s26 =	smul.u32 $0x50, s8  }
0x12: {  	[dreg:$0x1a] =	wrdreg s5;
	s9 =	sshrl.u32 s9, $0x3;
	s15 =	smul.u32 $0x280, s12  }
0x13: {  	[dreg:$0x17] =	wrdreg s11;
	s7 =	smul.u32 $0x500, s12;
	s23 =	sadd.s32 s14, s9  }
0x14: {  	s12 =	sadd.s32 s12, s13;
	s11 =	sadd.s32 s20, s1;
	[dreg:$0x1e] =	wrdreg s23  }
0x15: {  	s23 =	simm.s32 $0x18720;
	s15 =	sshrl.u32 s15, $0x3;
	s19 =	sadd.s32 s4, s7  }
0x16: {  	[dreg:$0x7] =	wrdreg s23;
	s23 =	simm.s32 $0x1B7A0;
	s16 =	sadd.s32 s1, s15  }
0x17: {  	[dreg:$0x1c] =	wrdreg s19;
	s15 =	sshrl.u32 s17, $0x3;
	s17 =	smul.u32 $0x18600, s6  }
0x18: {  	s11 =	sadd.s32 s21, s11;
	s19 =	smul.u32 $0x9C, s6;
	[dreg:$0x12] =	wrdreg s23  }
0x19: {  	s6 =	smul.u32 $0x30C00, s6;
	s23 =	simm.s32 $0x1;
	[dreg:$0x1b] =	wrdreg s16  }
0x1a: {  	s5 =	sadd.s32 $0x61A80, s16;
	s24 =	sadd.s32 s14, s15;
	s14 =	smax.u32 s10, $0x1  }
0x1b: {  	s15 =	simm.s32 $0x18820;
	[dreg:$0x1d] =	wrdreg s5;
	s5 =	sand.u32 $0x1, s13  }
0x1c: {  	s13 =	sadd.s32 $0xFFFFFFFF, s12;
	s12 =	sadd.s32 s17, s22;
	s9 =	sadd.s32 $0x30D00, s24  }
0x1d: {  	[smem:$0x7FB] =	sst s14;
	s17 =	smul.u32 $0x138, s0;
	s22 =	simm.s32 $0x189A0  }
0x1e: {  	s24 =	smul.u32 $0x61800, s0;
	s14 =	simm.s32 $0x18AA0;
	[dreg:$0xb] =	wrdreg s15  }
0x1f: {  	s0 =	simm.s32 $0x1ABA0;
	[dreg:$0x1f] =	wrdreg s9;
	s12 =	sadd.s32 s25, s12  }
0x20: {  	s9 =	sadd.s32 s26, s11;
	[dreg:$0x6] =	wrdreg s22;
	s25 =	simm.s32 $0x18A20  }
0x21: {  	[dreg:$0xa] =	wrdreg s14;
	s22 =	simm.s32 $0x1B4A0;
	p1 =	seq.s32 s5, $0x0  }
0x22: {  	s5 =	simm.s32 $0x2;
	s11 =	simm.s32 $0x1D8A0;
	s14 =	simm.s32 $0x0  }
0x23: {  	s16 =	sadd.s32 $0x30D680, s12;
	s9 =	sadd.s32 $0x50, s9;
	[dreg:$0x8] =	wrdreg s25  }
0x24: {  	s21 =	sadd.s32 s17, s8;
	s12 =	sadd.s32 s24, s4;
	[dreg:$0x11] =	wrdreg s22  }
0x25: {  	s8 =	smul.u32 $0x500, s8;
	s17 =	simm.s32 $0x188A0;
	[dreg:$0x4] =	wrdreg s9  }
0x26: {  	s24 =	simm.s32 $0x1B520;
	s22 =	simm.s32 $0x186A0;
	[dreg:$0xd] =	wrdreg s17  }
0x27: {  	s25 =	simm.s32 $0x1B820;
	s10 =	sshrl.u32 s16, $0x3;
	[dreg:$0x13] =	wrdreg s24  }
0x28: {  	s16 =	simm.s32 $0x18B20;
	s6 =	sadd.s32 s6, s12;
	[dreg:$0x14] =	wrdreg s25  }
0x29: {  	s24 =	simm.s32 $0x1B8A0;
	s20 =	sadd.s32 s10, s1;
	[dreg:$0xc] =	wrdreg s16  }
0x2a: {  	s10 =	sadd.s32 s19, s21;
	s19 =	simm.s32 $0x1B6A0;
	[dreg:$0x5] =	wrdreg s20  }
0x2b: {  	s25 =	simm.s32 $0x1B620;
	s21 =	simm.s32 $0x1B720;
	[dreg:$0xe] =	wrdreg s19  }
0x2c: {  	s9 =	simm.s32 $0x1D0A0;
	s26 =	sadd.s32 $0x2, s10;
	[dreg:$0x10] =	wrdreg s21  }
0x2d: {  	s6 =	sadd.s32 s8, s6;
	s10 =	simm.s32 $0x187A0;
	[smem:$0x7FC] =	sst s26  }
0x2e: {  	s12 =	simm.s32 $0x3;
	s6 =	sadd.s32 $0x500, s6;
	[dreg:$0x9] =	wrdreg s10  }
0x2f: {  	s16 =	simm.s32 $0x5;
	s20 =	simm.s32 $0x1B420;
	[smem:$0x7FD] =	sst s6  }
0x30: {  	s8 =	simm.s32 $0x1C8A0;
	s21 =	simm.s32 $0x18920;
	[dreg:$0xf] =	wrdreg s20  }
0x31: {  	s20 =	simm.s32 $0x18BA0;
	s26 =	simm.s32 $0x1B5A0;
	s6 =	simm.s32 $0x1C0A0  }
0x32: {  	s10 =	simm.s32 $0x4;
	[dreg:$0x15] =	wrdreg s26;
	s26 =	simm.s32 $0x1B3A0  }
.LBB2_1:
0x33: {  	s7 =	rddreg [dreg:$0x16]  }
0x34: {  	s19 =	rddreg [dreg:$0x17];
	s15 =	sshrl.u32 s7, $0x3  }
0x35: {  	[smem:$0x7F9] =	sst s15  }
0x36: {  	[spmem:s15], [sflag:s18] =	dma.local [hbm:s19], $0x30D0  }
0x37: {  	_ =	swait.ge [sflag:s16], $0x30D0  }
0x38: {  	s7 =	rddreg [dreg:$0x19]  }
0x39: {  	[sflag:s16] =	ssyncset.done $0x0;
	s15 =	sshrl.u32 @!p0 s7, $0x3;
	s7 =	rddreg [dreg:$0x1a]  }
0x3a: {  	s17 =	simm.s32 @!p0 $0x5;
	[sflag:s16] =	ssyncadd.s32 $0xFFFFCF30;
	[smem:$0x7FA] =	sst s15  }
0x3b: {  	[spmem:s15], [sflag:s18] =	dma.local @!p0 [hbm:s7], $0x40  }
0x3c: {  	_ =	swait.ge @!p0 [sflag:s17], $0x40  }
0x3d: {  	[sflag:s17] =	ssyncset.done @!p0 $0x0  }
0x3e: {  	[sflag:s17] =	ssyncadd.s32 @!p0 $0xFFFFFFC0  }
0x3f: {  	[bflag:$0x0] =	sbarrier.arrive $0xFFFF  }
0x40: {  	s17 =	rddreg [dreg:$0x1c]  }
0x41: {  	[tilespmem:s20], [sflag:$0x1] =	stream.linear.gather [hbm4b:s17+s3], $0x2800, $0x38;
	[tilespmem:$0x1E0A0] =	vst v63  }
0x42: {  	s18 =	rddreg [dreg:$0x1d]  }
0x43: {  	[tilespmem:s21], [sflag:$0x1] =	stream.linear.gather [hbm4b:s18+s3], $0x280, $0x38;
	[tilespmem:$0x1E0A0] =	vst v63  }
0x44: {  	s19 =	rddreg [dreg:$0x1b]  }
0x45: {  	[tilespmem:s22], [sflag:$0x1] =	stream.linear.gather [hbm4b:s19+s3], $0x280, $0x38;
	[tilespmem:$0x1E0A0] =	vst v63  }
0x46: {  	_ =	swait.ge [sflag:s23], $0x2800  }
0x47: {  	[sflag:s23] =	ssyncset.done $0x0  }
0x48: {  	[sflag:s23] =	ssyncadd.s32 $0xFFFFD800  }
0x49: {  	_ =	swait.ge [sflag:s23], $0x280  }
0x4a: {  	[sflag:s23] =	ssyncset.done $0x0  }
0x4b: {  	[sflag:s23] =	ssyncadd.s32 $0xFFFFFD80  }
0x4c: {  	_ =	swait.ge [sflag:s23], $0x280  }
0x4d: {  	s15 =	sld [smem:$0x7FD]  }
0x4e: {  	[sflag:s23] =	ssyncset.done $0x0  }
0x4f: {  	s7 =	rddreg [dreg:$0x5];
	[sflag:s23] =	ssyncadd.s32 $0xFFFFFD80  }
0x50: {  	[tilespmem:s24], [sflag:$0x2] =	stream.linear.gather [hbm4b:s15+s3], $0x2800, $0x38;
	[tilespmem:$0x1E0A0] =	vst v63  }
0x51: {  	s16 =	rddreg [dreg:$0x4];
	s17 =	sadd.s32 $0x0, s7  }
0x52: {  	[tilespmem:s25], [sflag:$0x2] =	stream.linear.gather [hbm4b:s17+s3], $0x280, $0x38;
	[tilespmem:$0x1E0A0] =	vst v63  }
0x53: {  	s19 =	sadd.s32 $0x0, s16  }
0x54: {  	[tilespmem:s26], [sflag:$0x2] =	stream.linear.gather [hbm4b:s19+s3], $0x280, $0x38;
	[tilespmem:$0x1E0A0] =	vst v63  }
0x55: {  	_ = 	snop  }
0x56: {  	[spmem:s2] =	stream.indirect.scatter.add.f32 [tilespmem:s20], [sflag:$0x3], $0x10, s21, s28, $0xb8;
	[tilespmem:$0x1E0A0] =	vst v63  }
0x57: {  	_ = 	snop  }
0x58: {  	[spmem:s2] =	stream.indirect.scatter.add.f32 [tilespmem:s20], [sflag:$0x3], $0x10, s22, s28, $0xb8;
	[tilespmem:$0x1E0A0] =	vst v63  }
0x59: {  	s7 =	rddreg [dreg:$0x6]  }
0x5a: {  	[spmem:s2] =	stream.indirect.scatter.add.f32 [tilespmem:s29], [sflag:$0x3], $0x10, s7, s28, $0xb8;
	[tilespmem:$0x1E0A0] =	vst v63  }
0x5b: {  	s16 =	rddreg [dreg:$0x7]  }
0x5c: {  	[spmem:s2] =	stream.indirect.scatter.add.f32 [tilespmem:s29], [sflag:$0x3], $0x10, s16, s28, $0xb8;
	[tilespmem:$0x1E0A0] =	vst v63  }
0x5d: {  	s19 =	rddreg [dreg:$0x8]  }
0x5e: {  	[spmem:s2] =	stream.indirect.scatter.add.f32 [tilespmem:s30], [sflag:$0x3], $0x10, s19, s28, $0xb8;
	[tilespmem:$0x1E0A0] =	vst v63  }
0x5f: {  	s7 =	rddreg [dreg:$0x9]  }
0x60: {  	[spmem:s2] =	stream.indirect.scatter.add.f32 [tilespmem:s30], [sflag:$0x3], $0x10, s7, s28, $0xb8;
	[tilespmem:$0x1E0A0] =	vst v63  }
0x61: {  	s16 =	rddreg [dreg:$0xa]  }
0x62: {  	[spmem:s2] =	stream.indirect.scatter.add.f32 [tilespmem:s31], [sflag:$0x3], $0x10, s16, s28, $0xb8;
	[tilespmem:$0x1E0A0] =	vst v63  }
0x63: {  	s19 =	rddreg [dreg:$0xb]  }
0x64: {  	[spmem:s2] =	stream.indirect.scatter.add.f32 [tilespmem:s31], [sflag:$0x3], $0x10, s19, s28, $0xb8;
	[tilespmem:$0x1E0A0] =	vst v63  }
0x65: {  	s7 =	rddreg [dreg:$0xc]  }
0x66: {  	[spmem:s2] =	stream.indirect.scatter.add.f32 [tilespmem:s0], [sflag:$0x3], $0x10, s7, s28, $0xb8;
	[tilespmem:$0x1E0A0] =	vst v63  }
0x67: {  	s16 =	rddreg [dreg:$0xd]  }
0x68: {  	[spmem:s2] =	stream.indirect.scatter.add.f32 [tilespmem:s0], [sflag:$0x3], $0x10, s16, s28, $0xb8;
	[tilespmem:$0x1E0A0] =	vst v63  }
0x69: {  	_ =	swait.ge [sflag:s5], $0x2800  }
0x6a: {  	[sflag:s5] =	ssyncset.done $0x0  }
0x6b: {  	[sflag:s5] =	ssyncadd.s32 $0xFFFFD800  }
0x6c: {  	_ =	swait.ge [sflag:s5], $0x280  }
0x6d: {  	[sflag:s5] =	ssyncset.done $0x0  }
0x6e: {  	[sflag:s5] =	ssyncadd.s32 $0xFFFFFD80  }
0x6f: {  	_ =	swait.ge [sflag:s5], $0x280  }
0x70: {  	[sflag:s5] =	ssyncset.done $0x0  }
0x71: {  	[sflag:s5] =	ssyncadd.s32 $0xFFFFFD80  }
0x72: {  	[spmem:s2] =	stream.indirect.scatter.add.f32 [tilespmem:s24], [sflag:$0x4], $0x10, s25, s28, $0xb8;
	[tilespmem:$0x1E0A0] =	vst v63  }
0x73: {  	_ = 	snop  }
0x74: {  	[spmem:s2] =	stream.indirect.scatter.add.f32 [tilespmem:s24], [sflag:$0x4], $0x10, s26, s28, $0xb8;
	[tilespmem:$0x1E0A0] =	vst v63  }
0x75: {  	s19 =	rddreg [dreg:$0xe]  }
0x76: {  	[spmem:s2] =	stream.indirect.scatter.add.f32 [tilespmem:s6], [sflag:$0x4], $0x10, s19, s28, $0xb8;
	[tilespmem:$0x1E0A0] =	vst v63  }
0x77: {  	s7 =	rddreg [dreg:$0xf]  }
0x78: {  	[spmem:s2] =	stream.indirect.scatter.add.f32 [tilespmem:s6], [sflag:$0x4], $0x10, s7, s28, $0xb8;
	[tilespmem:$0x1E0A0] =	vst v63  }
0x79: {  	s16 =	rddreg [dreg:$0x10]  }
0x7a: {  	[spmem:s2] =	stream.indirect.scatter.add.f32 [tilespmem:s8], [sflag:$0x4], $0x10, s16, s28, $0xb8;
	[tilespmem:$0x1E0A0] =	vst v63  }
0x7b: {  	s19 =	rddreg [dreg:$0x11]  }
0x7c: {  	[spmem:s2] =	stream.indirect.scatter.add.f32 [tilespmem:s8], [sflag:$0x4], $0x10, s19, s28, $0xb8;
	[tilespmem:$0x1E0A0] =	vst v63  }
0x7d: {  	s7 =	rddreg [dreg:$0x12]  }
0x7e: {  	[spmem:s2] =	stream.indirect.scatter.add.f32 [tilespmem:s9], [sflag:$0x4], $0x10, s7, s28, $0xb8;
	[tilespmem:$0x1E0A0] =	vst v63  }
0x7f: {  	s16 =	rddreg [dreg:$0x13]  }
0x80: {  	[spmem:s2] =	stream.indirect.scatter.add.f32 [tilespmem:s9], [sflag:$0x4], $0x10, s16, s28, $0xb8;
	[tilespmem:$0x1E0A0] =	vst v63  }
0x81: {  	s19 =	rddreg [dreg:$0x14]  }
0x82: {  	[spmem:s2] =	stream.indirect.scatter.add.f32 [tilespmem:s11], [sflag:$0x4], $0x10, s19, s28, $0xb8;
	[tilespmem:$0x1E0A0] =	vst v63  }
0x83: {  	s7 =	rddreg [dreg:$0x15]  }
0x84: {  	[spmem:s2] =	stream.indirect.scatter.add.f32 [tilespmem:s11], [sflag:$0x4], $0x10, s7, s28, $0xb8;
	[tilespmem:$0x1E0A0] =	vst v63  }
0x85: {  	_ =	swait.ge [sflag:s12], $0x2800  }
0x86: {  	s7 =	sld [smem:$0x7FC];
	_ =	sdelay $0x2  }
0x87: {  	s17 =	smov.u32 s13;
	p2 =	slt.s32 s7, s13  }
0x88: {  	s17 =	smov.u32 @p2 s7  }
0x89: {  	[sflag:s12] =	ssyncset.done $0x0;
	s16 =	smul.u32 $0x2800, s17  }
0x8a: {  	[sflag:s12] =	ssyncadd.s32 $0xFFFFD800;
	s17 =	smul.u32 $0x280, s17  }
0x8b: {  	_ =	swait.ge [sflag:s12], $0x2800  }
0x8c: {  	[sflag:s12] =	ssyncset.done $0x0;
	s18 =	sshrl.u32 s16, $0x3;
	s19 =	sadd.s32 $0x30D400, s17  }
0x8d: {  	[sflag:s12] =	ssyncadd.s32 $0xFFFFD800;
	s18 =	sadd.s32 s4, s18;
	s19 =	sshrl.u32 s19, $0x3  }
0x8e: {  	[tilespmem:s20], [sflag:$0x1] =	stream.linear.gather [hbm4b:s18+s3], $0x2800, $0x38;
	[tilespmem:$0x1E0A0] =	vst v63  }
0x8f: {  	s17 =	sshrl.u32 s17, $0x3;
	s18 =	sadd.s32 s1, s19  }
0x90: {  	[tilespmem:s21], [sflag:$0x1] =	stream.linear.gather [hbm4b:s18+s3], $0x280, $0x38;
	[tilespmem:$0x1E0A0] =	vst v63  }
0x91: {  	s17 =	sadd.s32 s1, s17  }
0x92: {  	[tilespmem:s22], [sflag:$0x1] =	stream.linear.gather [hbm4b:s17+s3], $0x280, $0x38;
	[tilespmem:$0x1E0A0] =	vst v63  }
0x93: {  	_ =	swait.ge [sflag:s10], $0x2800  }
0x94: {  	[sflag:s10] =	ssyncset.done $0x0  }
0x95: {  	s19 =	smov.u32 s15;
	[sflag:s10] =	ssyncadd.s32 $0xFFFFD800  }
0x96: {  	s18 =	simm.s32 $0xA0;
	s17 =	smov.u32 s7;
	_ =	swait.ge [sflag:s10], $0x2800  }
.LBB2_2:
0x97: {  	[sflag:s10] =	ssyncset.done $0x0  }
0x98: {  	[sflag:s10] =	ssyncadd.s32 $0xFFFFD800  }
0x99: {  	_ =	swait.ge [sflag:s23], $0x2800  }
0x9a: {  	[sflag:s23] =	ssyncset.done $0x0  }
0x9b: {  	[sflag:s23] =	ssyncadd.s32 $0xFFFFD800  }
0x9c: {  	_ =	swait.ge [sflag:s23], $0x280  }
0x9d: {  	[sflag:s23] =	ssyncset.done $0x0  }
0x9e: {  	[sflag:s23] =	ssyncadd.s32 $0xFFFFFD80  }
0x9f: {  	_ =	swait.ge [sflag:s23], $0x280  }
0xa0: {  	s19 =	sadd.s32 $0xA00, s19;
	[sflag:s23] =	ssyncset.done $0x0  }
0xa1: {  	s15 =	smov.u32 s18;
	s16 =	rddreg [dreg:$0x5];
	[sflag:s23] =	ssyncadd.s32 $0xFFFFFD80  }
0xa2: {  	[tilespmem:s24], [sflag:$0x2] =	stream.linear.gather [hbm4b:s19+s3], $0x2800, $0x38;
	[tilespmem:$0x1E0A0] =	vst v63  }
0xa3: {  	s7 =	rddreg [dreg:$0x4];
	s16 =	sadd.s32 s15, s16  }
0xa4: {  	[tilespmem:s25], [sflag:$0x2] =	stream.linear.gather [hbm4b:s16+s3], $0x280, $0x38;
	[tilespmem:$0x1E0A0] =	vst v63  }
0xa5: {  	s7 =	sadd.s32 s15, s7  }
0xa6: {  	[tilespmem:s26], [sflag:$0x2] =	stream.linear.gather [hbm4b:s7+s3], $0x280, $0x38;
	[tilespmem:$0x1E0A0] =	vst v63  }
0xa7: {  	_ = 	snop  }
0xa8: {  	[spmem:s2] =	stream.indirect.scatter.add.f32 [tilespmem:s20], [sflag:$0x3], $0x10, s21, s28, $0xb8;
	[tilespmem:$0x1E0A0] =	vst v63  }
0xa9: {  	_ = 	snop  }
0xaa: {  	[spmem:s2] =	stream.indirect.scatter.add.f32 [tilespmem:s20], [sflag:$0x3], $0x10, s22, s28, $0xb8;
	[tilespmem:$0x1E0A0] =	vst v63  }
0xab: {  	s15 =	rddreg [dreg:$0x6]  }
0xac: {  	[spmem:s2] =	stream.indirect.scatter.add.f32 [tilespmem:s29], [sflag:$0x3], $0x10, s15, s28, $0xb8;
	[tilespmem:$0x1E0A0] =	vst v63  }
0xad: {  	s16 =	rddreg [dreg:$0x7]  }
0xae: {  	[spmem:s2] =	stream.indirect.scatter.add.f32 [tilespmem:s29], [sflag:$0x3], $0x10, s16, s28, $0xb8;
	[tilespmem:$0x1E0A0] =	vst v63  }
0xaf: {  	s7 =	rddreg [dreg:$0x8]  }
0xb0: {  	[spmem:s2] =	stream.indirect.scatter.add.f32 [tilespmem:s30], [sflag:$0x3], $0x10, s7, s28, $0xb8;
	[tilespmem:$0x1E0A0] =	vst v63  }
0xb1: {  	s16 =	rddreg [dreg:$0x9]  }
0xb2: {  	[spmem:s2] =	stream.indirect.scatter.add.f32 [tilespmem:s30], [sflag:$0x3], $0x10, s16, s28, $0xb8;
	[tilespmem:$0x1E0A0] =	vst v63  }
0xb3: {  	s7 =	rddreg [dreg:$0xa]  }
0xb4: {  	[spmem:s2] =	stream.indirect.scatter.add.f32 [tilespmem:s31], [sflag:$0x3], $0x10, s7, s28, $0xb8;
	[tilespmem:$0x1E0A0] =	vst v63  }
0xb5: {  	s16 =	rddreg [dreg:$0xb]  }
0xb6: {  	[spmem:s2] =	stream.indirect.scatter.add.f32 [tilespmem:s31], [sflag:$0x3], $0x10, s16, s28, $0xb8;
	[tilespmem:$0x1E0A0] =	vst v63  }
0xb7: {  	s7 =	rddreg [dreg:$0xc]  }
0xb8: {  	[spmem:s2] =	stream.indirect.scatter.add.f32 [tilespmem:s0], [sflag:$0x3], $0x10, s7, s28, $0xb8;
	[tilespmem:$0x1E0A0] =	vst v63  }
0xb9: {  	s16 =	rddreg [dreg:$0xd]  }
0xba: {  	[spmem:s2] =	stream.indirect.scatter.add.f32 [tilespmem:s0], [sflag:$0x3], $0x10, s16, s28, $0xb8;
	[tilespmem:$0x1E0A0] =	vst v63  }
0xbb: {  	_ =	swait.ge [sflag:s5], $0x2800  }
0xbc: {  	[sflag:s5] =	ssyncset.done $0x0  }
0xbd: {  	[sflag:s5] =	ssyncadd.s32 $0xFFFFD800  }
0xbe: {  	_ =	swait.ge [sflag:s5], $0x280  }
0xbf: {  	[sflag:s5] =	ssyncset.done $0x0  }
0xc0: {  	[sflag:s5] =	ssyncadd.s32 $0xFFFFFD80  }
0xc1: {  	_ =	swait.ge [sflag:s5], $0x280  }
0xc2: {  	[sflag:s5] =	ssyncset.done $0x0  }
0xc3: {  	[sflag:s5] =	ssyncadd.s32 $0xFFFFFD80  }
0xc4: {  	[spmem:s2] =	stream.indirect.scatter.add.f32 [tilespmem:s24], [sflag:$0x4], $0x10, s25, s28, $0xb8;
	[tilespmem:$0x1E0A0] =	vst v63  }
0xc5: {  	_ = 	snop  }
0xc6: {  	[spmem:s2] =	stream.indirect.scatter.add.f32 [tilespmem:s24], [sflag:$0x4], $0x10, s26, s28, $0xb8;
	[tilespmem:$0x1E0A0] =	vst v63  }
0xc7: {  	s15 =	rddreg [dreg:$0xe]  }
0xc8: {  	[spmem:s2] =	stream.indirect.scatter.add.f32 [tilespmem:s6], [sflag:$0x4], $0x10, s15, s28, $0xb8;
	[tilespmem:$0x1E0A0] =	vst v63  }
0xc9: {  	s16 =	rddreg [dreg:$0xf]  }
0xca: {  	[spmem:s2] =	stream.indirect.scatter.add.f32 [tilespmem:s6], [sflag:$0x4], $0x10, s16, s28, $0xb8;
	[tilespmem:$0x1E0A0] =	vst v63  }
0xcb: {  	s7 =	rddreg [dreg:$0x10]  }
0xcc: {  	[spmem:s2] =	stream.indirect.scatter.add.f32 [tilespmem:s8], [sflag:$0x4], $0x10, s7, s28, $0xb8;
	[tilespmem:$0x1E0A0] =	vst v63  }
0xcd: {  	s16 =	rddreg [dreg:$0x11]  }
0xce: {  	[spmem:s2] =	stream.indirect.scatter.add.f32 [tilespmem:s8], [sflag:$0x4], $0x10, s16, s28, $0xb8;
	[tilespmem:$0x1E0A0] =	vst v63  }
0xcf: {  	s7 =	rddreg [dreg:$0x12]  }
0xd0: {  	[spmem:s2] =	stream.indirect.scatter.add.f32 [tilespmem:s9], [sflag:$0x4], $0x10, s7, s28, $0xb8;
	[tilespmem:$0x1E0A0] =	vst v63  }
0xd1: {  	s16 =	rddreg [dreg:$0x13]  }
0xd2: {  	[spmem:s2] =	stream.indirect.scatter.add.f32 [tilespmem:s9], [sflag:$0x4], $0x10, s16, s28, $0xb8;
	[tilespmem:$0x1E0A0] =	vst v63  }
0xd3: {  	s17 =	sadd.s32 $0x2, s17;
	s7 =	rddreg [dreg:$0x14]  }
0xd4: {  	[spmem:s2] =	stream.indirect.scatter.add.f32 [tilespmem:s11], [sflag:$0x4], $0x10, s7, s28, $0xb8;
	[tilespmem:$0x1E0A0] =	vst v63  }
0xd5: {  	p3 =	slt.s32 s17, s13;
	s16 =	rddreg [dreg:$0x15];
	s7 =	smov.u32 s13  }
0xd6: {  	[spmem:s2] =	stream.indirect.scatter.add.f32 [tilespmem:s11], [sflag:$0x4], $0x10, s16, s28, $0xb8;
	[tilespmem:$0x1E0A0] =	vst v63  }
0xd7: {  	s7 =	smov.u32 @p3 s17;
	_ =	swait.ge [sflag:s12], $0x2800  }
0xd8: {  	s16 =	smul.u32 $0x2800, s7;
	[sflag:s12] =	ssyncset.done $0x0  }
0xd9: {  	s7 =	smul.u32 $0x280, s7;
	[sflag:s12] =	ssyncadd.s32 $0xFFFFD800  }
0xda: {  	_ =	swait.ge [sflag:s12], $0x2800  }
0xdb: {  	s15 =	sshrl.u32 s16, $0x3;
	s16 =	sadd.s32 $0x30D400, s7;
	[sflag:s12] =	ssyncset.done $0x0  }
0xdc: {  	s15 =	sadd.s32 s4, s15;
	s16 =	sshrl.u32 s16, $0x3;
	[sflag:s12] =	ssyncadd.s32 $0xFFFFD800  }
0xdd: {  	[tilespmem:s20], [sflag:$0x1] =	stream.linear.gather [hbm4b:s15+s3], $0x2800, $0x38;
	[tilespmem:$0x1E0A0] =	vst v63  }
0xde: {  	s7 =	sshrl.u32 s7, $0x3;
	s15 =	sadd.s32 s1, s16  }
0xdf: {  	[tilespmem:s21], [sflag:$0x1] =	stream.linear.gather [hbm4b:s15+s3], $0x280, $0x38;
	[tilespmem:$0x1E0A0] =	vst v63  }
0xe0: {  	p2 =	sne.s32 s18, $0x3020;
	s7 =	sadd.s32 s1, s7  }
0xe1: {  	[tilespmem:s22], [sflag:$0x1] =	stream.linear.gather [hbm4b:s7+s3], $0x280, $0x38;
	[tilespmem:$0x1E0A0] =	vst v63  }
.Ltmp0:
0xe2: {  	_ = 	snop;
	(pc) =	sbr.rel @p2 .LBB2_2-.Ltmp0, $4  }
0xe3: {  	_ =	swait.ge [sflag:s10], $0x2800  }
0xe4: {  	[sflag:s10] =	ssyncset.done $0x0  }
0xe5: {  	[sflag:s10] =	ssyncadd.s32 $0xFFFFD800  }
0xe6: {  	s18 =	sadd.s32 $0xA0, s18;
	_ =	swait.ge [sflag:s10], $0x2800  }
0xe7: {  	[sflag:s10] =	ssyncset.done $0x0  }
0xe8: {  	[sflag:s10] =	ssyncadd.s32 $0xFFFFD800  }
0xe9: {  	_ =	swait.ge [sflag:s23], $0x2800  }
0xea: {  	[sflag:s23] =	ssyncset.done $0x0  }
0xeb: {  	[sflag:s23] =	ssyncadd.s32 $0xFFFFD800  }
0xec: {  	_ =	swait.ge [sflag:s23], $0x280  }
0xed: {  	[sflag:s23] =	ssyncset.done $0x0  }
0xee: {  	[sflag:s23] =	ssyncadd.s32 $0xFFFFFD80  }
0xef: {  	_ =	swait.ge [sflag:s23], $0x280  }
0xf0: {  	s7 =	simm.s32 @!p1 $0x80;
	[sflag:s23] =	ssyncset.done $0x0  }
0xf1: {  	s15 =	simm.s32 @!p1 $0x18920;
	s16 =	simm.s32 @!p1 $0x18BA0;
	[sflag:s23] =	ssyncadd.s32 $0xFFFFFD80  }
0xf2: {  	[spmem:s2] =	stream.indirect.scatter.add.f32 @!p1 [tilespmem:s16], [sflag:$0x3], $0x10, s15, s7, $0xb8;
	[tilespmem:$0x1E0A0] =	vst v63  }
0xf3: {  	s15 =	simm.s32 @!p1 $0x186A0  }
0xf4: {  	[spmem:s2] =	stream.indirect.scatter.add.f32 @!p1 [tilespmem:s16], [sflag:$0x3], $0x10, s15, s7, $0xb8;
	[tilespmem:$0x1E0A0] =	vst v63  }
0xf5: {  	s15 =	simm.s32 @!p1 $0x189A0;
	s16 =	simm.s32 @!p1 $0x193A0  }
0xf6: {  	[spmem:s2] =	stream.indirect.scatter.add.f32 @!p1 [tilespmem:s16], [sflag:$0x3], $0x10, s15, s7, $0xb8;
	[tilespmem:$0x1E0A0] =	vst v63  }
0xf7: {  	s15 =	simm.s32 @!p1 $0x18720  }
0xf8: {  	[spmem:s2] =	stream.indirect.scatter.add.f32 @!p1 [tilespmem:s16], [sflag:$0x3], $0x10, s15, s7, $0xb8;
	[tilespmem:$0x1E0A0] =	vst v63  }
0xf9: {  	s15 =	simm.s32 @!p1 $0x18A20;
	s16 =	simm.s32 @!p1 $0x19BA0  }
0xfa: {  	[spmem:s2] =	stream.indirect.scatter.add.f32 @!p1 [tilespmem:s16], [sflag:$0x3], $0x10, s15, s7, $0xb8;
	[tilespmem:$0x1E0A0] =	vst v63  }
0xfb: {  	s15 =	simm.s32 @!p1 $0x187A0  }
0xfc: {  	[spmem:s2] =	stream.indirect.scatter.add.f32 @!p1 [tilespmem:s16], [sflag:$0x3], $0x10, s15, s7, $0xb8;
	[tilespmem:$0x1E0A0] =	vst v63  }
0xfd: {  	s15 =	simm.s32 @!p1 $0x18AA0;
	s16 =	simm.s32 @!p1 $0x1A3A0  }
0xfe: {  	[spmem:s2] =	stream.indirect.scatter.add.f32 @!p1 [tilespmem:s16], [sflag:$0x3], $0x10, s15, s7, $0xb8;
	[tilespmem:$0x1E0A0] =	vst v63  }
0xff: {  	s15 =	simm.s32 @!p1 $0x18820  }
0x100: {  	[spmem:s2] =	stream.indirect.scatter.add.f32 @!p1 [tilespmem:s16], [sflag:$0x3], $0x10, s15, s7, $0xb8;
	[tilespmem:$0x1E0A0] =	vst v63  }
0x101: {  	s15 =	simm.s32 @!p1 $0x18B20;
	s16 =	simm.s32 @!p1 $0x1ABA0  }
0x102: {  	[spmem:s2] =	stream.indirect.scatter.add.f32 @!p1 [tilespmem:s16], [sflag:$0x3], $0x10, s15, s7, $0xb8;
	[tilespmem:$0x1E0A0] =	vst v63  }
0x103: {  	s15 =	simm.s32 @!p1 $0x188A0  }
0x104: {  	[spmem:s2] =	stream.indirect.scatter.add.f32 @!p1 [tilespmem:s16], [sflag:$0x3], $0x10, s15, s7, $0xb8;
	[tilespmem:$0x1E0A0] =	vst v63  }
0x105: {  	s7 =	simm.s32 @!p1 $0x3  }
0x106: {  	_ =	swait.ge @!p1 [sflag:s7], $0x2800  }
0x107: {  	[sflag:s7] =	ssyncset.done @!p1 $0x0  }
0x108: {  	[sflag:s7] =	ssyncadd.s32 @!p1 $0xFFFFD800  }
0x109: {  	_ =	swait.ge @!p1 [sflag:s7], $0x2800  }
0x10a: {  	[sflag:s7] =	ssyncset.done @!p1 $0x0  }
0x10b: {  	[sflag:s7] =	ssyncadd.s32 @!p1 $0xFFFFD800  }
0x10c: {  	[bflag:$0x0] =	sbarrier.arrive $0xFFFF  }
0x10d: {  	s17 =	sld [smem:$0x7F9]  }
0x10e: {  	s18 =	rddreg [dreg:$0x18]  }
0x10f: {  	s16 =	rddreg [dreg:$0x1e]  }
0x110: {  	[hbm:s16], [sflag:s18] =	dma.local [spmem:s17], $0x30D0  }
0x111: {  	s16 =	simm.s32 $0x5  }
0x112: {  	_ =	swait.ge [sflag:s16], $0x30D0  }
0x113: {  	s15 =	sld [smem:$0x7FA]  }
0x114: {  	[sflag:s16] =	ssyncset.done $0x0  }
0x115: {  	s7 =	rddreg [dreg:$0x1f];
	[sflag:s16] =	ssyncadd.s32 $0xFFFFCF30  }
0x116: {  	[hbm:s7], [sflag:s18] =	dma.local @!p0 [spmem:s15], $0x40  }
0x117: {  	s7 =	simm.s32 @!p0 $0x5  }
0x118: {  	_ =	swait.ge @!p0 [sflag:s7], $0x40  }
0x119: {  	s19 =	sld [smem:$0x7FB];
	_ =	sdelay $0x1  }
0x11a: {  	s14 =	sadd.s32 $0x1, s14  }
0x11b: {  	p2 =	sne.s32 s14, s19  }
.Ltmp1:
0x11c: {  	_ = 	snop;
	(pc) =	sbr.rel @p2 .LBB2_1-.Ltmp1, $3  }
0x11d: {  	_ =	sdelay $0x1  }
0x11e: {  	[sflag:s7] =	ssyncset.done @!p0 $0x0  }
0x11f: {  	[sflag:s7] =	ssyncadd.s32 @!p0 $0xFFFFFFC0  }
0x120: {  	_ =	sfence.sel $0x180000  }
0x121: {  	[bflag:$0x0] =	sbarrier.arrive $0xFFFF  }
0x122: {  	_ =	strace $0x90000047  }
0x123: {  	[bflag:$0x2] =	sbarrier.arrive $0xFFFF  }
0x124: {  	s0 =	rddreg [dreg:$0x3]  }
0x125: {  	s0 =	sadd.s32 @!p0 $0x100000, s0  }
0x126: {  	[sflag:s0] =	ssyncadd.tile.s32 @!p0 $0x1;
	_ =	shalt  }
.Lfunc_end2:
_tile_overlayer_lowered:
.L_overlay_start_2:
0x127: {  	(tag) =	ssettag $0x2  }
0x128: {  	s0 =	rddreg [dreg:$0x0];
	s2 =	stileid.u32  }
0x129: {  	s1 =	rddreg [dreg:$0x1];
	p0 =	sne.s32 s2, $0x0  }
0x12a: {  	s3 =	rddreg [dreg:$0x2];
	[bflag:$0x3] =	sbarrier.arrive $0xFFFF;
	s2 =	simm.s32 @!p0 $0x1C05  }
0x12b: {  	[timem:s3], [sflag:s2] =	dma.local @!p0 [hbm:s0], s1  }
0x12c: {  	s0 =	simm.s32 @!p0 $0x5  }
0x12d: {  	_ =	swait.ge @!p0 [sflag:s0], s1  }
0x12e: {  	s1 =	ssub.s32 @!p0 $0x0, s1;
	[sflag:s0] =	ssyncset.done @!p0 $0x0  }
0x12f: {  	[sflag:s0] =	ssyncadd.s32 @!p0 s1  }
0x130: {  	[bflag:$0x3] =	sbarrier.arrive $0xFFFF  }
0x131: {  	_ =	shalt  }

</sc_bundles>
